<compile_context>
chip_gen: v7x
topology: tpu7x:2x2x1
jax: 0.10.2.dev20260603
libtpu: 0.0.44.dev20260713+nightly
codegen_flags: <defaults>
</compile_context>

<pallas_src>
import functools

import jax
import jax.numpy as jnp
from jax import lax
from jax.experimental import pallas as pl
from jax.experimental.pallas import tpu as pltpu
from jax.experimental.pallas import tpu_sc as plsc

HIDDEN = 512
OUTPUTS = 2
NUM_GRAPHS = 64
EPS = 1e-5

NW = 32
C_SC = 160
SC_ROWS = NW * C_SC
S_TC = 10000 - SC_ROWS
BLK = S_TC // 2
CHUNK = 80
NCH = C_SC // CHUNK
LANES = 16
NCOL = HIDDEN // LANES
OPAD = 128


def _tc_sum_kernel(batch_ref, x_ref, acc_ref, cnt_ref):
    i = pl.program_id(0)

    @pl.when(i == 0)
    def _init():
        acc_ref[...] = jnp.zeros_like(acc_ref)
        cnt_ref[...] = jnp.zeros_like(cnt_ref)

    b = batch_ref[0, 0, :]
    gids = lax.broadcasted_iota(jnp.int32, (NUM_GRAPHS, BLK), 0)
    onehot = (b[None, :] == gids).astype(jnp.float32)
    acc_ref[...] += jnp.dot(onehot, x_ref[...],
                            preferred_element_type=jnp.float32)
    cnt_ref[...] = cnt_ref[...] + jnp.sum(onehot, axis=1, keepdims=True)


def _sc_sum_kernel(x_hbm, batch_hbm, acc_out, cnt_out,
                   rows_v, acc_v, cnt_v, idx_v, sem0, sem1):
    c = lax.axis_index("c")
    s = lax.axis_index("s")
    wid = c * 16 + s
    base = S_TC + wid * C_SC

    pltpu.sync_copy(batch_hbm.at[pl.ds(base, C_SC)], idx_v)

    zero = jnp.zeros((LANES,), jnp.float32)

    def zrow(g, carry):
        for k in range(NCOL):
            acc_v[g, pl.ds(k * LANES, LANES)] = zero
        cnt_v[g, :] = zero
        return carry

    lax.fori_loop(0, NUM_GRAPHS, zrow, 0)

    sems = [sem0, sem1]
    copies = [None, None]
    copies[0] = pltpu.make_async_copy(
        x_hbm.at[pl.ds(base, CHUNK)], rows_v.at[0], sems[0])
    copies[0].start()
    ones = jnp.ones((LANES,), jnp.float32)

    for ch in range(NCH):
        buf = ch % 2
        if ch + 1 < NCH:
            nbuf = (ch + 1) % 2
            copies[nbuf] = pltpu.make_async_copy(
                x_hbm.at[pl.ds(base + (ch + 1) * CHUNK, CHUNK)],
                rows_v.at[nbuf], sems[nbuf])
            copies[nbuf].start()
        copies[buf].wait()

        def group_body(g, carry, ch=ch, buf=buf):
            ids = idx_v[pl.ds(ch * CHUNK + g * LANES, LANES)]
            plsc.addupdate(cnt_v.at[0, :], ids.astype(jnp.float32))
            return carry

        lax.fori_loop(0, CHUNK // LANES, group_body, 0)

    pltpu.sync_copy(acc_v, acc_out.at[wid])
    pltpu.sync_copy(cnt_v, cnt_out.at[wid])


def _mlp_kernel(acc_tc_ref, cnt_tc_ref, acc_sc_ref, cnt_sc_ref,
                w1_ref, b1_ref, gamma_ref, beta_ref, w2t_ref, b2_ref, o_ref):
    sums = acc_tc_ref[...] + jnp.sum(acc_sc_ref[...], axis=0)
    counts = cnt_tc_ref[:, :1] + jnp.sum(cnt_sc_ref[...], axis=0)[:, :1]
    mean_x = sums / jnp.clip(counts, 1.0, None)
    h = lax.dot_general(mean_x, w1_ref[...],
                        (((1,), (1,)), ((), ())),
                        preferred_element_type=jnp.float32) + b1_ref[...]
    mu = jnp.mean(h, axis=0, keepdims=True)
    var = jnp.mean((h - mu) * (h - mu), axis=0, keepdims=True)
    h = (h - mu) / jnp.sqrt(var + EPS) * gamma_ref[...] + beta_ref[...]
    h = jnp.maximum(h, 0.0)
    o_ref[...] = jnp.dot(h, w2t_ref[...],
                         preferred_element_type=jnp.float32) + b2_ref[...]


def kernel(x, edge_index, edge_attr, u, batch, W1, b1, gamma, beta, W2, b2):
    batch3 = batch[:S_TC].reshape(S_TC // BLK, 1, BLK)

    acc_tc, cnt_tc = pl.pallas_call(
        _tc_sum_kernel,
        grid=(S_TC // BLK,),
        in_specs=[
            pl.BlockSpec((1, 1, BLK), lambda i: (i, 0, 0)),
            pl.BlockSpec((BLK, HIDDEN), lambda i: (i, 0)),
        ],
        out_specs=[
            pl.BlockSpec((NUM_GRAPHS, HIDDEN), lambda i: (0, 0)),
            pl.BlockSpec((NUM_GRAPHS, 128), lambda i: (0, 0)),
        ],
        out_shape=[
            jax.ShapeDtypeStruct((NUM_GRAPHS, HIDDEN), jnp.float32),
            jax.ShapeDtypeStruct((NUM_GRAPHS, 128), jnp.float32),
        ],
    )(batch3, x)

    sc_fn = pl.kernel(
        _sc_sum_kernel,
        out_type=[
            jax.ShapeDtypeStruct((NW, NUM_GRAPHS, HIDDEN), jnp.float32),
            jax.ShapeDtypeStruct((NW, NUM_GRAPHS, LANES), jnp.float32),
        ],
        mesh=plsc.VectorSubcoreMesh(core_axis_name="c", subcore_axis_name="s"),
        scratch_types=[
            pltpu.VMEM((2, CHUNK, HIDDEN), jnp.float32),
            pltpu.VMEM((NUM_GRAPHS, HIDDEN), jnp.float32),
            pltpu.VMEM((NUM_GRAPHS, LANES), jnp.float32),
            pltpu.VMEM((C_SC,), jnp.int32),
            pltpu.SemaphoreType.DMA,
            pltpu.SemaphoreType.DMA,
        ],
    )
    acc_sc, cnt_sc = sc_fn(x, batch)

    w2t = jnp.pad(W2.T, ((0, 0), (0, OPAD - OUTPUTS)))
    b2p = jnp.pad(b2, (0, OPAD - OUTPUTS)).reshape(1, OPAD)

    out = pl.pallas_call(
        _mlp_kernel,
        grid=(1,),
        in_specs=[
            pl.BlockSpec((NUM_GRAPHS, HIDDEN), lambda i: (0, 0)),
            pl.BlockSpec((NUM_GRAPHS, 128), lambda i: (0, 0)),
            pl.BlockSpec((NW, NUM_GRAPHS, HIDDEN), lambda i: (0, 0, 0)),
            pl.BlockSpec((NW, NUM_GRAPHS, LANES), lambda i: (0, 0, 0)),
            pl.BlockSpec((HIDDEN, HIDDEN), lambda i: (0, 0)),
            pl.BlockSpec((1, HIDDEN), lambda i: (0, 0)),
            pl.BlockSpec((1, HIDDEN), lambda i: (0, 0)),
            pl.BlockSpec((1, HIDDEN), lambda i: (0, 0)),
            pl.BlockSpec((HIDDEN, OPAD), lambda i: (0, 0)),
            pl.BlockSpec((1, OPAD), lambda i: (0, 0)),
        ],
        out_specs=pl.BlockSpec((NUM_GRAPHS, OPAD), lambda i: (0, 0)),
        out_shape=jax.ShapeDtypeStruct((NUM_GRAPHS, OPAD), jnp.float32),
    )(acc_tc, cnt_tc, acc_sc, cnt_sc, W1, b1.reshape(1, HIDDEN),
      gamma.reshape(1, HIDDEN), beta.reshape(1, HIDDEN), w2t, b2p)
    return out[:, :OUTPUTS]

# --- scband reference (transcript-rebuilt; emitter-appended) ---
"""Pipeline reference for scband-global-model-52415780880561 (READ-ONLY COPY).

The authoritative reference and input builder live on the scoring server;
editing this copy changes nothing except your own understanding.
"""

import jax, jax.numpy as jnp
import numpy as np

HIDDEN = 512
OUTPUTS = 2
NUM_GRAPHS = 64
N_NODES = 10000
N_EDGES = 160000
D_EDGE = 16
EPS = 1e-5


def setup_inputs(seed: int = 0) -> dict:
    key = jax.random.key(seed)
    ks = jax.random.split(key, 10)
    x = jax.random.normal(ks[0], (N_NODES, HIDDEN), dtype=jnp.float32)
    edge_index = jax.random.randint(ks[1], (2, N_EDGES), 0, N_NODES, dtype=jnp.int32)
    edge_attr = jax.random.normal(ks[2], (N_EDGES, D_EDGE), dtype=jnp.float32)
    u = jax.random.normal(ks[3], (NUM_GRAPHS, HIDDEN), dtype=jnp.float32)
    batch = jnp.sort(jax.random.randint(ks[4], (N_NODES,), 0, NUM_GRAPHS, dtype=jnp.int32))
    s1 = 1.0 / np.sqrt(HIDDEN)
    W1 = jax.random.uniform(ks[5], (HIDDEN, HIDDEN), dtype=jnp.float32, minval=-s1, maxval=s1)
    b1 = jax.random.uniform(ks[6], (HIDDEN,), dtype=jnp.float32, minval=-s1, maxval=s1)
    gamma = jnp.ones((HIDDEN,), dtype=jnp.float32)
    beta = jnp.zeros((HIDDEN,), dtype=jnp.float32)
    W2 = jax.random.uniform(ks[7], (OUTPUTS, HIDDEN), dtype=jnp.float32, minval=-s1, maxval=s1)
    b2 = jax.random.uniform(ks[8], (OUTPUTS,), dtype=jnp.float32, minval=-s1, maxval=s1)
    return {"x": x, "edge_index": edge_index, "edge_attr": edge_attr, "u": u, "batch": batch,
            "W1": W1, "b1": b1, "gamma": gamma, "beta": beta, "W2": W2, "b2": b2}


def reference(x, edge_index, edge_attr, u, batch, W1, b1, gamma, beta, W2, b2):
    # scatter_mean(x, batch, dim=0) -> per-graph mean of node features
    sums = jax.ops.segment_sum(x, batch, num_segments=NUM_GRAPHS)
    counts = jax.ops.segment_sum(jnp.ones((x.shape[0],), dtype=x.dtype), batch, num_segments=NUM_GRAPHS)
    out = sums / jnp.clip(counts, 1.0, None)[:, None]
    # global_mlp: Linear -> BatchNorm1d (training-mode batch stats) -> ReLU -> Linear
    h = out @ W1.T + b1
    mean = jnp.mean(h, axis=0)
    var = jnp.var(h, axis=0)  # biased variance, matches torch BN training normalization
    h = (h - mean) / jnp.sqrt(var + EPS) * gamma + beta
    h = jax.nn.relu(h)
    return h @ W2.T + b2

if __name__ == "__main__":
    import jax
    _d = setup_inputs()
    print(jax.jit(kernel)(*tuple(_d.values())))

</pallas_src>

<mosaic_0001>
#map = affine_map<(d0, d1) -> (0, 0)>
#map1 = affine_map<(d0, d1) -> (0)>
#map2 = affine_map<(d0, d1) -> (0, 0, 0)>
module attributes {stable_mosaic.version = 14 : i64} {
  func.func @_sc_sum_kernel(%arg0: i32, %arg1: i32, %arg2: memref<10000x512xf32, #tpu.memory_space<hbm>>, %arg3: memref<10000xi32, #tpu.memory_space<hbm>>, %arg4: memref<32x64x512xf32, #tpu.memory_space<hbm>>, %arg5: memref<32x64x16xf32, #tpu.memory_space<hbm>>, %arg6: memref<2x80x512xf32, #tpu.memory_space<vmem>>, %arg7: memref<64x512xf32, #tpu.memory_space<vmem>>, %arg8: memref<64x16xf32, #tpu.memory_space<vmem>>, %arg9: memref<160xi32, #tpu.memory_space<vmem>>, %arg10: memref<!tpu.dma_semaphore, #tpu.memory_space<semaphore_mem>>, %arg11: memref<!tpu.dma_semaphore, #tpu.memory_space<semaphore_mem>>) attributes {dimension_semantics = [#tpu.dimension_semantics<core_parallel>, #tpu.dimension_semantics<subcore_parallel>], iteration_bounds = array<i64: 2, 16>, scalar_prefetch = 0 : i64, scratch_operands = 6 : i64, tpu.core_type = #tpu.core_type<sc_vector_subcore>, window_params = [{transform_indices = #map}, {transform_indices = #map1}, {transform_indices = #map2}, {transform_indices = #map2}]} {
    %mul3A = arith.constant 16 : i32
    %mul3A_0 = arith.muli %arg0, %mul3A : i32
    %add3A = arith.addi %mul3A_0, %arg1 : i32
    %mul3A_1 = arith.constant 160 : i32
    %mul3A_2 = arith.muli %add3A, %mul3A_1 : i32
    %add3A_3 = arith.constant 4880 : i32
    %add3A_4 = arith.addi %add3A_3, %mul3A_2 : i32
    "tpu.region"() ({
      %run_scoped3A = tpu.sem_alloc : memref<!tpu.dma_semaphore, #tpu.memory_space<semaphore_mem>>
      %dma_start3A_77 = tpu.memref_slice %arg3[%add3A_4] : memref<10000xi32, #tpu.memory_space<hbm>> -> memref<160xi32, #tpu.memory_space<hbm>>
      %dma_start3A_78 = tpu.memref_slice %arg3[%add3A_4] : memref<10000xi32, #tpu.memory_space<hbm>> -> memref<160xi32, #tpu.memory_space<hbm>>
      tpu.enqueue_dma source(%dma_start3A_78 : memref<160xi32, #tpu.memory_space<hbm>>) target(%arg9 : memref<160xi32, #tpu.memory_space<vmem>>) target_semaphore(%run_scoped3A : memref<!tpu.dma_semaphore, #tpu.memory_space<semaphore_mem>>)
      %dma_wait3A_79 = tpu.memref_slice %arg3[%add3A_4] : memref<10000xi32, #tpu.memory_space<hbm>> -> memref<160xi32, #tpu.memory_space<hbm>>
      %dma_wait3A_80 = tpu.memref_slice %arg3[%add3A_4] : memref<10000xi32, #tpu.memory_space<hbm>> -> memref<160xi32, #tpu.memory_space<hbm>>
      tpu.wait_dma2 semaphore(%run_scoped3A : memref<!tpu.dma_semaphore, #tpu.memory_space<semaphore_mem>>) src(%dma_wait3A_80 : memref<160xi32, #tpu.memory_space<hbm>>) dst(%arg9 : memref<160xi32, #tpu.memory_space<vmem>>)
      tpu.yield
    }) : () -> ()
    %broadcast_in_dim3A = arith.constant 0.000000e+00 : f32
    %broadcast_in_dim3A_5 = vector.broadcast %broadcast_in_dim3A : f32 to vector<16xf32>
    %scan3A = arith.constant 0 : i32
    %scan3A_6 = arith.constant 0 : i32
    %scan3A_7 = arith.constant 64 : i32
    %scan3A_8 = arith.addi %scan3A_6, %scan3A_7 : i32
    %scan3A_9 = arith.constant 1 : i32
    scf.for %scan3A_77 = %scan3A_6 to %scan3A_8 step %scan3A_9  : i32 {
      %swap3A = arith.index_cast %scan3A_77 : i32 to index
      %swap3A_78 = arith.constant 0 : index
      %swap3A_79 = tpu.vector_load %arg7[%swap3A, %swap3A_78] {strides = array<i32>} : memref<64x512xf32, #tpu.memory_space<vmem>>, vector<1x16xf32>,
      %swap3A_80 = vector.shape_cast %swap3A_79 : vector<1x16xf32> to vector<16xf32>
      %swap3A_81 = vector.shape_cast %broadcast_in_dim3A_5 : vector<16xf32> to vector<1x16xf32>
      tpu.vector_store %arg7[%swap3A, %swap3A_78], %swap3A_81 {strides = array<i32>} : memref<64x512xf32, #tpu.memory_space<vmem>>, vector<1x16xf32>,
      %swap3A_82 = arith.index_cast %scan3A_77 : i32 to index
      %swap3A_83 = arith.constant 16 : index
      %swap3A_84 = tpu.vector_load %arg7[%swap3A_82, %swap3A_83] {strides = array<i32>} : memref<64x512xf32, #tpu.memory_space<vmem>>, vector<1x16xf32>,
      %swap3A_85 = vector.shape_cast %swap3A_84 : vector<1x16xf32> to vector<16xf32>
      %swap3A_86 = vector.shape_cast %broadcast_in_dim3A_5 : vector<16xf32> to vector<1x16xf32>
      tpu.vector_store %arg7[%swap3A_82, %swap3A_83], %swap3A_86 {strides = array<i32>} : memref<64x512xf32, #tpu.memory_space<vmem>>, vector<1x16xf32>,
      %swap3A_87 = arith.index_cast %scan3A_77 : i32 to index
      %swap3A_88 = arith.constant 32 : index
      %swap3A_89 = tpu.vector_load %arg7[%swap3A_87, %swap3A_88] {strides = array<i32>} : memref<64x512xf32, #tpu.memory_space<vmem>>, vector<1x16xf32>,
      %swap3A_90 = vector.shape_cast %swap3A_89 : vector<1x16xf32> to vector<16xf32>
      %swap3A_91 = vector.shape_cast %broadcast_in_dim3A_5 : vector<16xf32> to vector<1x16xf32>
      tpu.vector_store %arg7[%swap3A_87, %swap3A_88], %swap3A_91 {strides = array<i32>} : memref<64x512xf32, #tpu.memory_space<vmem>>, vector<1x16xf32>,
      %swap3A_92 = arith.index_cast %scan3A_77 : i32 to index
      %swap3A_93 = arith.constant 48 : index
      %swap3A_94 = tpu.vector_load %arg7[%swap3A_92, %swap3A_93] {strides = array<i32>} : memref<64x512xf32, #tpu.memory_space<vmem>>, vector<1x16xf32>,
      %swap3A_95 = vector.shape_cast %swap3A_94 : vector<1x16xf32> to vector<16xf32>
      %swap3A_96 = vector.shape_cast %broadcast_in_dim3A_5 : vector<16xf32> to vector<1x16xf32>
      tpu.vector_store %arg7[%swap3A_92, %swap3A_93], %swap3A_96 {strides = array<i32>} : memref<64x512xf32, #tpu.memory_space<vmem>>, vector<1x16xf32>,
      %swap3A_97 = arith.index_cast %scan3A_77 : i32 to index
      %swap3A_98 = arith.constant 64 : index
      %swap3A_99 = tpu.vector_load %arg7[%swap3A_97, %swap3A_98] {strides = array<i32>} : memref<64x512xf32, #tpu.memory_space<vmem>>, vector<1x16xf32>,
      %swap3A_100 = vector.shape_cast %swap3A_99 : vector<1x16xf32> to vector<16xf32>
      %swap3A_101 = vector.shape_cast %broadcast_in_dim3A_5 : vector<16xf32> to vector<1x16xf32>
      tpu.vector_store %arg7[%swap3A_97, %swap3A_98], %swap3A_101 {strides = array<i32>} : memref<64x512xf32, #tpu.memory_space<vmem>>, vector<1x16xf32>,
      %swap3A_102 = arith.index_cast %scan3A_77 : i32 to index
      %swap3A_103 = arith.constant 80 : index
      %swap3A_104 = tpu.vector_load %arg7[%swap3A_102, %swap3A_103] {strides = array<i32>} : memref<64x512xf32, #tpu.memory_space<vmem>>, vector<1x16xf32>,
      %swap3A_105 = vector.shape_cast %swap3A_104 : vector<1x16xf32> to vector<16xf32>
      %swap3A_106 = vector.shape_cast %broadcast_in_dim3A_5 : vector<16xf32> to vector<1x16xf32>
      tpu.vector_store %arg7[%swap3A_102, %swap3A_103], %swap3A_106 {strides = array<i32>} : memref<64x512xf32, #tpu.memory_space<vmem>>, vector<1x16xf32>,
      %swap3A_107 = arith.index_cast %scan3A_77 : i32 to index
      %swap3A_108 = arith.constant 96 : index
      %swap3A_109 = tpu.vector_load %arg7[%swap3A_107, %swap3A_108] {strides = array<i32>} : memref<64x512xf32, #tpu.memory_space<vmem>>, vector<1x16xf32>,
      %swap3A_110 = vector.shape_cast %swap3A_109 : vector<1x16xf32> to vector<16xf32>
      %swap3A_111 = vector.shape_cast %broadcast_in_dim3A_5 : vector<16xf32> to vector<1x16xf32>
      tpu.vector_store %arg7[%swap3A_107, %swap3A_108], %swap3A_111 {strides = array<i32>} : memref<64x512xf32, #tpu.memory_space<vmem>>, vector<1x16xf32>,
      %swap3A_112 = arith.index_cast %scan3A_77 : i32 to index
      %swap3A_113 = arith.constant 112 : index
      %swap3A_114 = tpu.vector_load %arg7[%swap3A_112, %swap3A_113] {strides = array<i32>} : memref<64x512xf32, #tpu.memory_space<vmem>>, vector<1x16xf32>,
      %swap3A_115 = vector.shape_cast %swap3A_114 : vector<1x16xf32> to vector<16xf32>
      %swap3A_116 = vector.shape_cast %broadcast_in_dim3A_5 : vector<16xf32> to vector<1x16xf32>
      tpu.vector_store %arg7[%swap3A_112, %swap3A_113], %swap3A_116 {strides = array<i32>} : memref<64x512xf32, #tpu.memory_space<vmem>>, vector<1x16xf32>,
      %swap3A_117 = arith.index_cast %scan3A_77 : i32 to index
      %swap3A_118 = arith.constant 128 : index
      %swap3A_119 = tpu.vector_load %arg7[%swap3A_117, %swap3A_118] {strides = array<i32>} : memref<64x512xf32, #tpu.memory_space<vmem>>, vector<1x16xf32>,
      %swap3A_120 = vector.shape_cast %swap3A_119 : vector<1x16xf32> to vector<16xf32>
      %swap3A_121 = vector.shape_cast %broadcast_in_dim3A_5 : vector<16xf32> to vector<1x16xf32>
      tpu.vector_store %arg7[%swap3A_117, %swap3A_118], %swap3A_121 {strides = array<i32>} : memref<64x512xf32, #tpu.memory_space<vmem>>, vector<1x16xf32>,
      %swap3A_122 = arith.index_cast %scan3A_77 : i32 to index
      %swap3A_123 = arith.constant 144 : index
      %swap3A_124 = tpu.vector_load %arg7[%swap3A_122, %swap3A_123] {strides = array<i32>} : memref<64x512xf32, #tpu.memory_space<vmem>>, vector<1x16xf32>,
      %swap3A_125 = vector.shape_cast %swap3A_124 : vector<1x16xf32> to vector<16xf32>
      %swap3A_126 = vector.shape_cast %broadcast_in_dim3A_5 : vector<16xf32> to vector<1x16xf32>
      tpu.vector_store %arg7[%swap3A_122, %swap3A_123], %swap3A_126 {strides = array<i32>} : memref<64x512xf32, #tpu.memory_space<vmem>>, vector<1x16xf32>,
      %swap3A_127 = arith.index_cast %scan3A_77 : i32 to index
      %swap3A_128 = arith.constant 160 : index
      %swap3A_129 = tpu.vector_load %arg7[%swap3A_127, %swap3A_128] {strides = array<i32>} : memref<64x512xf32, #tpu.memory_space<vmem>>, vector<1x16xf32>,
      %swap3A_130 = vector.shape_cast %swap3A_129 : vector<1x16xf32> to vector<16xf32>
      %swap3A_131 = vector.shape_cast %broadcast_in_dim3A_5 : vector<16xf32> to vector<1x16xf32>
      tpu.vector_store %arg7[%swap3A_127, %swap3A_128], %swap3A_131 {strides = array<i32>} : memref<64x512xf32, #tpu.memory_space<vmem>>, vector<1x16xf32>,
      %swap3A_132 = arith.index_cast %scan3A_77 : i32 to index
      %swap3A_133 = arith.constant 176 : index
      %swap3A_134 = tpu.vector_load %arg7[%swap3A_132, %swap3A_133] {strides = array<i32>} : memref<64x512xf32, #tpu.memory_space<vmem>>, vector<1x16xf32>,
      %swap3A_135 = vector.shape_cast %swap3A_134 : vector<1x16xf32> to vector<16xf32>
      %swap3A_136 = vector.shape_cast %broadcast_in_dim3A_5 : vector<16xf32> to vector<1x16xf32>
      tpu.vector_store %arg7[%swap3A_132, %swap3A_133], %swap3A_136 {strides = array<i32>} : memref<64x512xf32, #tpu.memory_space<vmem>>, vector<1x16xf32>,
      %swap3A_137 = arith.index_cast %scan3A_77 : i32 to index
      %swap3A_138 = arith.constant 192 : index
      %swap3A_139 = tpu.vector_load %arg7[%swap3A_137, %swap3A_138] {strides = array<i32>} : memref<64x512xf32, #tpu.memory_space<vmem>>, vector<1x16xf32>,
      %swap3A_140 = vector.shape_cast %swap3A_139 : vector<1x16xf32> to vector<16xf32>
      %swap3A_141 = vector.shape_cast %broadcast_in_dim3A_5 : vector<16xf32> to vector<1x16xf32>
      tpu.vector_store %arg7[%swap3A_137, %swap3A_138], %swap3A_141 {strides = array<i32>} : memref<64x512xf32, #tpu.memory_space<vmem>>, vector<1x16xf32>,
      %swap3A_142 = arith.index_cast %scan3A_77 : i32 to index
      %swap3A_143 = arith.constant 208 : index
      %swap3A_144 = tpu.vector_load %arg7[%swap3A_142, %swap3A_143] {strides = array<i32>} : memref<64x512xf32, #tpu.memory_space<vmem>>, vector<1x16xf32>,
      %swap3A_145 = vector.shape_cast %swap3A_144 : vector<1x16xf32> to vector<16xf32>
      %swap3A_146 = vector.shape_cast %broadcast_in_dim3A_5 : vector<16xf32> to vector<1x16xf32>
      tpu.vector_store %arg7[%swap3A_142, %swap3A_143], %swap3A_146 {strides = array<i32>} : memref<64x512xf32, #tpu.memory_space<vmem>>, vector<1x16xf32>,
      %swap3A_147 = arith.index_cast %scan3A_77 : i32 to index
      %swap3A_148 = arith.constant 224 : index
      %swap3A_149 = tpu.vector_load %arg7[%swap3A_147, %swap3A_148] {strides = array<i32>} : memref<64x512xf32, #tpu.memory_space<vmem>>, vector<1x16xf32>,
      %swap3A_150 = vector.shape_cast %swap3A_149 : vector<1x16xf32> to vector<16xf32>
      %swap3A_151 = vector.shape_cast %broadcast_in_dim3A_5 : vector<16xf32> to vector<1x16xf32>
      tpu.vector_store %arg7[%swap3A_147, %swap3A_148], %swap3A_151 {strides = array<i32>} : memref<64x512xf32, #tpu.memory_space<vmem>>, vector<1x16xf32>,
      %swap3A_152 = arith.index_cast %scan3A_77 : i32 to index
      %swap3A_153 = arith.constant 240 : index
      %swap3A_154 = tpu.vector_load %arg7[%swap3A_152, %swap3A_153] {strides = array<i32>} : memref<64x512xf32, #tpu.memory_space<vmem>>, vector<1x16xf32>,
      %swap3A_155 = vector.shape_cast %swap3A_154 : vector<1x16xf32> to vector<16xf32>
      %swap3A_156 = vector.shape_cast %broadcast_in_dim3A_5 : vector<16xf32> to vector<1x16xf32>
      tpu.vector_store %arg7[%swap3A_152, %swap3A_153], %swap3A_156 {strides = array<i32>} : memref<64x512xf32, #tpu.memory_space<vmem>>, vector<1x16xf32>,
      %swap3A_157 = arith.index_cast %scan3A_77 : i32 to index
      %swap3A_158 = arith.constant 256 : index
      %swap3A_159 = tpu.vector_load %arg7[%swap3A_157, %swap3A_158] {strides = array<i32>} : memref<64x512xf32, #tpu.memory_space<vmem>>, vector<1x16xf32>,
      %swap3A_160 = vector.shape_cast %swap3A_159 : vector<1x16xf32> to vector<16xf32>
      %swap3A_161 = vector.shape_cast %broadcast_in_dim3A_5 : vector<16xf32> to vector<1x16xf32>
      tpu.vector_store %arg7[%swap3A_157, %swap3A_158], %swap3A_161 {strides = array<i32>} : memref<64x512xf32, #tpu.memory_space<vmem>>, vector<1x16xf32>,
      %swap3A_162 = arith.index_cast %scan3A_77 : i32 to index
      %swap3A_163 = arith.constant 272 : index
      %swap3A_164 = tpu.vector_load %arg7[%swap3A_162, %swap3A_163] {strides = array<i32>} : memref<64x512xf32, #tpu.memory_space<vmem>>, vector<1x16xf32>,
      %swap3A_165 = vector.shape_cast %swap3A_164 : vector<1x16xf32> to vector<16xf32>
      %swap3A_166 = vector.shape_cast %broadcast_in_dim3A_5 : vector<16xf32> to vector<1x16xf32>
      tpu.vector_store %arg7[%swap3A_162, %swap3A_163], %swap3A_166 {strides = array<i32>} : memref<64x512xf32, #tpu.memory_space<vmem>>, vector<1x16xf32>,
      %swap3A_167 = arith.index_cast %scan3A_77 : i32 to index
      %swap3A_168 = arith.constant 288 : index
      %swap3A_169 = tpu.vector_load %arg7[%swap3A_167, %swap3A_168] {strides = array<i32>} : memref<64x512xf32, #tpu.memory_space<vmem>>, vector<1x16xf32>,
      %swap3A_170 = vector.shape_cast %swap3A_169 : vector<1x16xf32> to vector<16xf32>
      %swap3A_171 = vector.shape_cast %broadcast_in_dim3A_5 : vector<16xf32> to vector<1x16xf32>
      tpu.vector_store %arg7[%swap3A_167, %swap3A_168], %swap3A_171 {strides = array<i32>} : memref<64x512xf32, #tpu.memory_space<vmem>>, vector<1x16xf32>,
      %swap3A_172 = arith.index_cast %scan3A_77 : i32 to index
      %swap3A_173 = arith.constant 304 : index
      %swap3A_174 = tpu.vector_load %arg7[%swap3A_172, %swap3A_173] {strides = array<i32>} : memref<64x512xf32, #tpu.memory_space<vmem>>, vector<1x16xf32>,
      %swap3A_175 = vector.shape_cast %swap3A_174 : vector<1x16xf32> to vector<16xf32>
      %swap3A_176 = vector.shape_cast %broadcast_in_dim3A_5 : vector<16xf32> to vector<1x16xf32>
      tpu.vector_store %arg7[%swap3A_172, %swap3A_173], %swap3A_176 {strides = array<i32>} : memref<64x512xf32, #tpu.memory_space<vmem>>, vector<1x16xf32>,
      %swap3A_177 = arith.index_cast %scan3A_77 : i32 to index
      %swap3A_178 = arith.constant 320 : index
      %swap3A_179 = tpu.vector_load %arg7[%swap3A_177, %swap3A_178] {strides = array<i32>} : memref<64x512xf32, #tpu.memory_space<vmem>>, vector<1x16xf32>,
      %swap3A_180 = vector.shape_cast %swap3A_179 : vector<1x16xf32> to vector<16xf32>
      %swap3A_181 = vector.shape_cast %broadcast_in_dim3A_5 : vector<16xf32> to vector<1x16xf32>
      tpu.vector_store %arg7[%swap3A_177, %swap3A_178], %swap3A_181 {strides = array<i32>} : memref<64x512xf32, #tpu.memory_space<vmem>>, vector<1x16xf32>,
      %swap3A_182 = arith.index_cast %scan3A_77 : i32 to index
      %swap3A_183 = arith.constant 336 : index
      %swap3A_184 = tpu.vector_load %arg7[%swap3A_182, %swap3A_183] {strides = array<i32>} : memref<64x512xf32, #tpu.memory_space<vmem>>, vector<1x16xf32>,
      %swap3A_185 = vector.shape_cast %swap3A_184 : vector<1x16xf32> to vector<16xf32>
      %swap3A_186 = vector.shape_cast %broadcast_in_dim3A_5 : vector<16xf32> to vector<1x16xf32>
      tpu.vector_store %arg7[%swap3A_182, %swap3A_183], %swap3A_186 {strides = array<i32>} : memref<64x512xf32, #tpu.memory_space<vmem>>, vector<1x16xf32>,
      %swap3A_187 = arith.index_cast %scan3A_77 : i32 to index
      %swap3A_188 = arith.constant 352 : index
      %swap3A_189 = tpu.vector_load %arg7[%swap3A_187, %swap3A_188] {strides = array<i32>} : memref<64x512xf32, #tpu.memory_space<vmem>>, vector<1x16xf32>,
      %swap3A_190 = vector.shape_cast %swap3A_189 : vector<1x16xf32> to vector<16xf32>
      %swap3A_191 = vector.shape_cast %broadcast_in_dim3A_5 : vector<16xf32> to vector<1x16xf32>
      tpu.vector_store %arg7[%swap3A_187, %swap3A_188], %swap3A_191 {strides = array<i32>} : memref<64x512xf32, #tpu.memory_space<vmem>>, vector<1x16xf32>,
      %swap3A_192 = arith.index_cast %scan3A_77 : i32 to index
      %swap3A_193 = arith.constant 368 : index
      %swap3A_194 = tpu.vector_load %arg7[%swap3A_192, %swap3A_193] {strides = array<i32>} : memref<64x512xf32, #tpu.memory_space<vmem>>, vector<1x16xf32>,
      %swap3A_195 = vector.shape_cast %swap3A_194 : vector<1x16xf32> to vector<16xf32>
      %swap3A_196 = vector.shape_cast %broadcast_in_dim3A_5 : vector<16xf32> to vector<1x16xf32>
      tpu.vector_store %arg7[%swap3A_192, %swap3A_193], %swap3A_196 {strides = array<i32>} : memref<64x512xf32, #tpu.memory_space<vmem>>, vector<1x16xf32>,
      %swap3A_197 = arith.index_cast %scan3A_77 : i32 to index
      %swap3A_198 = arith.constant 384 : index
      %swap3A_199 = tpu.vector_load %arg7[%swap3A_197, %swap3A_198] {strides = array<i32>} : memref<64x512xf32, #tpu.memory_space<vmem>>, vector<1x16xf32>,
      %swap3A_200 = vector.shape_cast %swap3A_199 : vector<1x16xf32> to vector<16xf32>
      %swap3A_201 = vector.shape_cast %broadcast_in_dim3A_5 : vector<16xf32> to vector<1x16xf32>
      tpu.vector_store %arg7[%swap3A_197, %swap3A_198], %swap3A_201 {strides = array<i32>} : memref<64x512xf32, #tpu.memory_space<vmem>>, vector<1x16xf32>,
      %swap3A_202 = arith.index_cast %scan3A_77 : i32 to index
      %swap3A_203 = arith.constant 400 : index
      %swap3A_204 = tpu.vector_load %arg7[%swap3A_202, %swap3A_203] {strides = array<i32>} : memref<64x512xf32, #tpu.memory_space<vmem>>, vector<1x16xf32>,
      %swap3A_205 = vector.shape_cast %swap3A_204 : vector<1x16xf32> to vector<16xf32>
      %swap3A_206 = vector.shape_cast %broadcast_in_dim3A_5 : vector<16xf32> to vector<1x16xf32>
      tpu.vector_store %arg7[%swap3A_202, %swap3A_203], %swap3A_206 {strides = array<i32>} : memref<64x512xf32, #tpu.memory_space<vmem>>, vector<1x16xf32>,
      %swap3A_207 = arith.index_cast %scan3A_77 : i32 to index
      %swap3A_208 = arith.constant 416 : index
      %swap3A_209 = tpu.vector_load %arg7[%swap3A_207, %swap3A_208] {strides = array<i32>} : memref<64x512xf32, #tpu.memory_space<vmem>>, vector<1x16xf32>,
      %swap3A_210 = vector.shape_cast %swap3A_209 : vector<1x16xf32> to vector<16xf32>
      %swap3A_211 = vector.shape_cast %broadcast_in_dim3A_5 : vector<16xf32> to vector<1x16xf32>
      tpu.vector_store %arg7[%swap3A_207, %swap3A_208], %swap3A_211 {strides = array<i32>} : memref<64x512xf32, #tpu.memory_space<vmem>>, vector<1x16xf32>,
      %swap3A_212 = arith.index_cast %scan3A_77 : i32 to index
      %swap3A_213 = arith.constant 432 : index
      %swap3A_214 = tpu.vector_load %arg7[%swap3A_212, %swap3A_213] {strides = array<i32>} : memref<64x512xf32, #tpu.memory_space<vmem>>, vector<1x16xf32>,
      %swap3A_215 = vector.shape_cast %swap3A_214 : vector<1x16xf32> to vector<16xf32>
      %swap3A_216 = vector.shape_cast %broadcast_in_dim3A_5 : vector<16xf32> to vector<1x16xf32>
      tpu.vector_store %arg7[%swap3A_212, %swap3A_213], %swap3A_216 {strides = array<i32>} : memref<64x512xf32, #tpu.memory_space<vmem>>, vector<1x16xf32>,
      %swap3A_217 = arith.index_cast %scan3A_77 : i32 to index
      %swap3A_218 = arith.constant 448 : index
      %swap3A_219 = tpu.vector_load %arg7[%swap3A_217, %swap3A_218] {strides = array<i32>} : memref<64x512xf32, #tpu.memory_space<vmem>>, vector<1x16xf32>,
      %swap3A_220 = vector.shape_cast %swap3A_219 : vector<1x16xf32> to vector<16xf32>
      %swap3A_221 = vector.shape_cast %broadcast_in_dim3A_5 : vector<16xf32> to vector<1x16xf32>
      tpu.vector_store %arg7[%swap3A_217, %swap3A_218], %swap3A_221 {strides = array<i32>} : memref<64x512xf32, #tpu.memory_space<vmem>>, vector<1x16xf32>,
      %swap3A_222 = arith.index_cast %scan3A_77 : i32 to index
      %swap3A_223 = arith.constant 464 : index
      %swap3A_224 = tpu.vector_load %arg7[%swap3A_222, %swap3A_223] {strides = array<i32>} : memref<64x512xf32, #tpu.memory_space<vmem>>, vector<1x16xf32>,
      %swap3A_225 = vector.shape_cast %swap3A_224 : vector<1x16xf32> to vector<16xf32>
      %swap3A_226 = vector.shape_cast %broadcast_in_dim3A_5 : vector<16xf32> to vector<1x16xf32>
      tpu.vector_store %arg7[%swap3A_222, %swap3A_223], %swap3A_226 {strides = array<i32>} : memref<64x512xf32, #tpu.memory_space<vmem>>, vector<1x16xf32>,
      %swap3A_227 = arith.index_cast %scan3A_77 : i32 to index
      %swap3A_228 = arith.constant 480 : index
      %swap3A_229 = tpu.vector_load %arg7[%swap3A_227, %swap3A_228] {strides = array<i32>} : memref<64x512xf32, #tpu.memory_space<vmem>>, vector<1x16xf32>,
      %swap3A_230 = vector.shape_cast %swap3A_229 : vector<1x16xf32> to vector<16xf32>
      %swap3A_231 = vector.shape_cast %broadcast_in_dim3A_5 : vector<16xf32> to vector<1x16xf32>
      tpu.vector_store %arg7[%swap3A_227, %swap3A_228], %swap3A_231 {strides = array<i32>} : memref<64x512xf32, #tpu.memory_space<vmem>>, vector<1x16xf32>,
      %swap3A_232 = arith.index_cast %scan3A_77 : i32 to index
      %swap3A_233 = arith.constant 496 : index
      %swap3A_234 = tpu.vector_load %arg7[%swap3A_232, %swap3A_233] {strides = array<i32>} : memref<64x512xf32, #tpu.memory_space<vmem>>, vector<1x16xf32>,
      %swap3A_235 = vector.shape_cast %swap3A_234 : vector<1x16xf32> to vector<16xf32>
      %swap3A_236 = vector.shape_cast %broadcast_in_dim3A_5 : vector<16xf32> to vector<1x16xf32>
      tpu.vector_store %arg7[%swap3A_232, %swap3A_233], %swap3A_236 {strides = array<i32>} : memref<64x512xf32, #tpu.memory_space<vmem>>, vector<1x16xf32>,
      %swap3A_237 = arith.index_cast %scan3A_77 : i32 to index
      %swap3A_238 = arith.constant 0 : index
      %swap3A_239 = tpu.vector_load %arg8[%swap3A_237, %swap3A_238] {strides = array<i32>} : memref<64x16xf32, #tpu.memory_space<vmem>>, vector<1x16xf32>,
      %swap3A_240 = vector.shape_cast %swap3A_239 : vector<1x16xf32> to vector<16xf32>
      %swap3A_241 = vector.shape_cast %broadcast_in_dim3A_5 : vector<16xf32> to vector<1x16xf32>
      tpu.vector_store %arg8[%swap3A_237, %swap3A_238], %swap3A_241 {strides = array<i32>} : memref<64x16xf32, #tpu.memory_space<vmem>>, vector<1x16xf32>,
    }
    %scan3A_10 = arith.constant 64 : i32
    %dma_start3A = arith.constant 0 : i32
    %dma_start3A_11 = arith.constant 0 : i32
    %dma_start3A_12 = arith.constant 0 : i32
    %dma_start3A_13 = tpu.memref_slice %arg6[%dma_start3A, %dma_start3A_11, %dma_start3A_12] : memref<2x80x512xf32, #tpu.memory_space<vmem>> -> memref<1x80x512xf32, #tpu.memory_space<vmem>>
    %dma_start3A_14 = tpu.memref_squeeze %dma_start3A_13 : memref<1x80x512xf32, #tpu.memory_space<vmem>> -> memref<80x512xf32, #tpu.memory_space<vmem>>
    %dma_start3A_15 = arith.constant 0 : i32
    %dma_start3A_16 = tpu.memref_slice %arg2[%add3A_4, %dma_start3A_15] : memref<10000x512xf32, #tpu.memory_space<hbm>> -> memref<80x512xf32, #tpu.memory_space<hbm>>
    %dma_start3A_17 = arith.constant 0 : i32
    %dma_start3A_18 = arith.constant 0 : i32
    %dma_start3A_19 = tpu.memref_slice %arg6[%dma_start3A, %dma_start3A_17, %dma_start3A_18] : memref<2x80x512xf32, #tpu.memory_space<vmem>> -> memref<1x80x512xf32, #tpu.memory_space<vmem>>
    %dma_start3A_20 = tpu.memref_squeeze %dma_start3A_19 : memref<1x80x512xf32, #tpu.memory_space<vmem>> -> memref<80x512xf32, #tpu.memory_space<vmem>>
    %dma_start3A_21 = arith.constant 0 : i32
    %dma_start3A_22 = tpu.memref_slice %arg2[%add3A_4, %dma_start3A_21] : memref<10000x512xf32, #tpu.memory_space<hbm>> -> memref<80x512xf32, #tpu.memory_space<hbm>>
    tpu.enqueue_dma source(%dma_start3A_22 : memref<80x512xf32, #tpu.memory_space<hbm>>) target(%dma_start3A_20 : memref<80x512xf32, #tpu.memory_space<vmem>>) target_semaphore(%arg10 : memref<!tpu.dma_semaphore, #tpu.memory_space<semaphore_mem>>)
    %broadcast_in_dim3A_23 = arith.constant 1.000000e+00 : f32
    %broadcast_in_dim3A_24 = vector.broadcast %broadcast_in_dim3A_23 : f32 to vector<16xf32>
    %add3A_25 = arith.constant 80 : i32
    %add3A_26 = arith.addi %add3A_4, %add3A_25 : i32
    %dma_start3A_27 = arith.constant 1 : i32
    %dma_start3A_28 = arith.constant 0 : i32
    %dma_start3A_29 = arith.constant 0 : i32
    %dma_start3A_30 = tpu.memref_slice %arg6[%dma_start3A_27, %dma_start3A_28, %dma_start3A_29] : memref<2x80x512xf32, #tpu.memory_space<vmem>> -> memref<1x80x512xf32, #tpu.memory_space<vmem>>
    %dma_start3A_31 = tpu.memref_squeeze %dma_start3A_30 : memref<1x80x512xf32, #tpu.memory_space<vmem>> -> memref<80x512xf32, #tpu.memory_space<vmem>>
    %dma_start3A_32 = arith.constant 0 : i32
    %dma_start3A_33 = tpu.memref_slice %arg2[%add3A_26, %dma_start3A_32] : memref<10000x512xf32, #tpu.memory_space<hbm>> -> memref<80x512xf32, #tpu.memory_space<hbm>>
    %dma_start3A_34 = arith.constant 0 : i32
    %dma_start3A_35 = arith.constant 0 : i32
    %dma_start3A_36 = tpu.memref_slice %arg6[%dma_start3A_27, %dma_start3A_34, %dma_start3A_35] : memref<2x80x512xf32, #tpu.memory_space<vmem>> -> memref<1x80x512xf32, #tpu.memory_space<vmem>>
    %dma_start3A_37 = tpu.memref_squeeze %dma_start3A_36 : memref<1x80x512xf32, #tpu.memory_space<vmem>> -> memref<80x512xf32, #tpu.memory_space<vmem>>
    %dma_start3A_38 = arith.constant 0 : i32
    %dma_start3A_39 = tpu.memref_slice %arg2[%add3A_26, %dma_start3A_38] : memref<10000x512xf32, #tpu.memory_space<hbm>> -> memref<80x512xf32, #tpu.memory_space<hbm>>
    tpu.enqueue_dma source(%dma_start3A_39 : memref<80x512xf32, #tpu.memory_space<hbm>>) target(%dma_start3A_37 : memref<80x512xf32, #tpu.memory_space<vmem>>) target_semaphore(%arg11 : memref<!tpu.dma_semaphore, #tpu.memory_space<semaphore_mem>>)
    %dma_wait3A = arith.constant 0 : i32
    %dma_wait3A_40 = arith.constant 0 : i32
    %dma_wait3A_41 = arith.constant 0 : i32
    %dma_wait3A_42 = tpu.memref_slice %arg6[%dma_wait3A, %dma_wait3A_40, %dma_wait3A_41] : memref<2x80x512xf32, #tpu.memory_space<vmem>> -> memref<1x80x512xf32, #tpu.memory_space<vmem>>
    %dma_wait3A_43 = tpu.memref_squeeze %dma_wait3A_42 : memref<1x80x512xf32, #tpu.memory_space<vmem>> -> memref<80x512xf32, #tpu.memory_space<vmem>>
    %dma_wait3A_44 = arith.constant 0 : i32
    %dma_wait3A_45 = tpu.memref_slice %arg2[%add3A_4, %dma_wait3A_44] : memref<10000x512xf32, #tpu.memory_space<hbm>> -> memref<80x512xf32, #tpu.memory_space<hbm>>
    %dma_wait3A_46 = arith.constant 0 : i32
    %dma_wait3A_47 = arith.constant 0 : i32
    %dma_wait3A_48 = tpu.memref_slice %arg6[%dma_wait3A, %dma_wait3A_46, %dma_wait3A_47] : memref<2x80x512xf32, #tpu.memory_space<vmem>> -> memref<1x80x512xf32, #tpu.memory_space<vmem>>
    %dma_wait3A_49 = tpu.memref_squeeze %dma_wait3A_48 : memref<1x80x512xf32, #tpu.memory_space<vmem>> -> memref<80x512xf32, #tpu.memory_space<vmem>>
    %dma_wait3A_50 = arith.constant 0 : i32
    %dma_wait3A_51 = tpu.memref_slice %arg2[%add3A_4, %dma_wait3A_50] : memref<10000x512xf32, #tpu.memory_space<hbm>> -> memref<80x512xf32, #tpu.memory_space<hbm>>
    tpu.wait_dma2 semaphore(%arg10 : memref<!tpu.dma_semaphore, #tpu.memory_space<semaphore_mem>>) src(%dma_wait3A_51 : memref<80x512xf32, #tpu.memory_space<hbm>>) dst(%dma_wait3A_49 : memref<80x512xf32, #tpu.memory_space<vmem>>)
    %scan3A_52 = arith.constant 0 : i32
    %scan3A_53 = arith.constant 0 : i32
    %scan3A_54 = arith.constant 5 : i32
    %scan3A_55 = arith.addi %scan3A_53, %scan3A_54 : i32
    %scan3A_56 = arith.constant 1 : i32
    scf.for %scan3A_77 = %scan3A_53 to %scan3A_55 step %scan3A_56  : i32 {
      %mul3A_78 = arith.constant 16 : i32
      %mul3A_79 = arith.muli %scan3A_77, %mul3A_78 : i32
      %add3A_80 = arith.constant 0 : i32
      %add3A_81 = arith.addi %add3A_80, %mul3A_79 : i32
      %get3A = arith.index_cast %add3A_81 : i32 to index
      %get3A_82 = tpu.vector_load %arg9[%get3A] {strides = array<i32>} : memref<160xi32, #tpu.memory_space<vmem>>, vector<16xi32>,
      %get3A_83 = vector.shape_cast %get3A_82 : vector<16xi32> to vector<16xi32>
      %convert_element_type3A = arith.sitofp %get3A_83 : vector<16xi32> to vector<16xf32>
      %swap3A = arith.constant 0 : i32
      %swap3A_84 = arith.index_cast %swap3A : i32 to index
      %swap3A_85 = arith.constant 0 : index
      %swap3A_86 = tpu.vector_load %arg8[%swap3A_84, %swap3A_85] {strides = array<i32>} : memref<64x16xf32, #tpu.memory_space<vmem>>, vector<1x16xf32>,
      %swap3A_87 = vector.shape_cast %swap3A_86 : vector<1x16xf32> to vector<16xf32>
      %swap3A_88 = vector.shape_cast %convert_element_type3A : vector<16xf32> to vector<1x16xf32>
      tpu.vector_store %arg8[%swap3A_84, %swap3A_85], %swap3A_88 {add = true, strides = array<i32>} : memref<64x16xf32, #tpu.memory_space<vmem>>, vector<1x16xf32>,
    }
    %scan3A_57 = arith.constant 5 : i32
    %dma_wait3A_58 = arith.constant 1 : i32
    %dma_wait3A_59 = arith.constant 0 : i32
    %dma_wait3A_60 = arith.constant 0 : i32
    %dma_wait3A_61 = tpu.memref_slice %arg6[%dma_wait3A_58, %dma_wait3A_59, %dma_wait3A_60] : memref<2x80x512xf32, #tpu.memory_space<vmem>> -> memref<1x80x512xf32, #tpu.memory_space<vmem>>
    %dma_wait3A_62 = tpu.memref_squeeze %dma_wait3A_61 : memref<1x80x512xf32, #tpu.memory_space<vmem>> -> memref<80x512xf32, #tpu.memory_space<vmem>>
    %dma_wait3A_63 = arith.constant 0 : i32
    %dma_wait3A_64 = tpu.memref_slice %arg2[%add3A_26, %dma_wait3A_63] : memref<10000x512xf32, #tpu.memory_space<hbm>> -> memref<80x512xf32, #tpu.memory_space<hbm>>
    %dma_wait3A_65 = arith.constant 0 : i32
    %dma_wait3A_66 = arith.constant 0 : i32
    %dma_wait3A_67 = tpu.memref_slice %arg6[%dma_wait3A_58, %dma_wait3A_65, %dma_wait3A_66] : memref<2x80x512xf32, #tpu.memory_space<vmem>> -> memref<1x80x512xf32, #tpu.memory_space<vmem>>
    %dma_wait3A_68 = tpu.memref_squeeze %dma_wait3A_67 : memref<1x80x512xf32, #tpu.memory_space<vmem>> -> memref<80x512xf32, #tpu.memory_space<vmem>>
    %dma_wait3A_69 = arith.constant 0 : i32
    %dma_wait3A_70 = tpu.memref_slice %arg2[%add3A_26, %dma_wait3A_69] : memref<10000x512xf32, #tpu.memory_space<hbm>> -> memref<80x512xf32, #tpu.memory_space<hbm>>
    tpu.wait_dma2 semaphore(%arg11 : memref<!tpu.dma_semaphore, #tpu.memory_space<semaphore_mem>>) src(%dma_wait3A_70 : memref<80x512xf32, #tpu.memory_space<hbm>>) dst(%dma_wait3A_68 : memref<80x512xf32, #tpu.memory_space<vmem>>)
    %scan3A_71 = arith.constant 0 : i32
    %scan3A_72 = arith.constant 0 : i32
    %scan3A_73 = arith.constant 5 : i32
    %scan3A_74 = arith.addi %scan3A_72, %scan3A_73 : i32
    %scan3A_75 = arith.constant 1 : i32
    scf.for %scan3A_77 = %scan3A_72 to %scan3A_74 step %scan3A_75  : i32 {
      %mul3A_78 = arith.constant 16 : i32
      %mul3A_79 = arith.muli %scan3A_77, %mul3A_78 : i32
      %add3A_80 = arith.constant 80 : i32
      %add3A_81 = arith.addi %add3A_80, %mul3A_79 : i32
      %get3A = arith.index_cast %add3A_81 : i32 to index
      %get3A_82 = tpu.vector_load %arg9[%get3A] {strides = array<i32>} : memref<160xi32, #tpu.memory_space<vmem>>, vector<16xi32>,
      %get3A_83 = vector.shape_cast %get3A_82 : vector<16xi32> to vector<16xi32>
      %convert_element_type3A = arith.sitofp %get3A_83 : vector<16xi32> to vector<16xf32>
      %swap3A = arith.constant 0 : i32
      %swap3A_84 = arith.index_cast %swap3A : i32 to index
      %swap3A_85 = arith.constant 0 : index
      %swap3A_86 = tpu.vector_load %arg8[%swap3A_84, %swap3A_85] {strides = array<i32>} : memref<64x16xf32, #tpu.memory_space<vmem>>, vector<1x16xf32>,
      %swap3A_87 = vector.shape_cast %swap3A_86 : vector<1x16xf32> to vector<16xf32>
      %swap3A_88 = vector.shape_cast %convert_element_type3A : vector<16xf32> to vector<1x16xf32>
      tpu.vector_store %arg8[%swap3A_84, %swap3A_85], %swap3A_88 {add = true, strides = array<i32>} : memref<64x16xf32, #tpu.memory_space<vmem>>, vector<1x16xf32>,
    }
    %scan3A_76 = arith.constant 5 : i32
    "tpu.region"() ({
      %run_scoped3A = tpu.sem_alloc : memref<!tpu.dma_semaphore, #tpu.memory_space<semaphore_mem>>
      %dma_start3A_77 = arith.constant 0 : i32
      %dma_start3A_78 = arith.constant 0 : i32
      %dma_start3A_79 = tpu.memref_slice %arg4[%add3A, %dma_start3A_77, %dma_start3A_78] : memref<32x64x512xf32, #tpu.memory_space<hbm>> -> memref<1x64x512xf32, #tpu.memory_space<hbm>>
      %dma_start3A_80 = tpu.memref_squeeze %dma_start3A_79 : memref<1x64x512xf32, #tpu.memory_space<hbm>> -> memref<64x512xf32, #tpu.memory_space<hbm>>
      %dma_start3A_81 = arith.constant 0 : i32
      %dma_start3A_82 = arith.constant 0 : i32
      %dma_start3A_83 = tpu.memref_slice %arg4[%add3A, %dma_start3A_81, %dma_start3A_82] : memref<32x64x512xf32, #tpu.memory_space<hbm>> -> memref<1x64x512xf32, #tpu.memory_space<hbm>>
      %dma_start3A_84 = tpu.memref_squeeze %dma_start3A_83 : memref<1x64x512xf32, #tpu.memory_space<hbm>> -> memref<64x512xf32, #tpu.memory_space<hbm>>
      tpu.enqueue_dma source(%arg7 : memref<64x512xf32, #tpu.memory_space<vmem>>) target(%dma_start3A_84 : memref<64x512xf32, #tpu.memory_space<hbm>>) target_semaphore(%run_scoped3A : memref<!tpu.dma_semaphore, #tpu.memory_space<semaphore_mem>>)
      %dma_wait3A_85 = arith.constant 0 : i32
      %dma_wait3A_86 = arith.constant 0 : i32
      %dma_wait3A_87 = tpu.memref_slice %arg4[%add3A, %dma_wait3A_85, %dma_wait3A_86] : memref<32x64x512xf32, #tpu.memory_space<hbm>> -> memref<1x64x512xf32, #tpu.memory_space<hbm>>
      %dma_wait3A_88 = tpu.memref_squeeze %dma_wait3A_87 : memref<1x64x512xf32, #tpu.memory_space<hbm>> -> memref<64x512xf32, #tpu.memory_space<hbm>>
      %dma_wait3A_89 = arith.constant 0 : i32
      %dma_wait3A_90 = arith.constant 0 : i32
      %dma_wait3A_91 = tpu.memref_slice %arg4[%add3A, %dma_wait3A_89, %dma_wait3A_90] : memref<32x64x512xf32, #tpu.memory_space<hbm>> -> memref<1x64x512xf32, #tpu.memory_space<hbm>>
      %dma_wait3A_92 = tpu.memref_squeeze %dma_wait3A_91 : memref<1x64x512xf32, #tpu.memory_space<hbm>> -> memref<64x512xf32, #tpu.memory_space<hbm>>
      tpu.wait_dma2 semaphore(%run_scoped3A : memref<!tpu.dma_semaphore, #tpu.memory_space<semaphore_mem>>) src(%arg7 : memref<64x512xf32, #tpu.memory_space<vmem>>) dst(%dma_wait3A_92 : memref<64x512xf32, #tpu.memory_space<hbm>>)
      tpu.yield
    }) : () -> ()
    "tpu.region"() ({
      %run_scoped3A = tpu.sem_alloc : memref<!tpu.dma_semaphore, #tpu.memory_space<semaphore_mem>>
      %dma_start3A_77 = arith.constant 0 : i32
      %dma_start3A_78 = arith.constant 0 : i32
      %dma_start3A_79 = tpu.memref_slice %arg5[%add3A, %dma_start3A_77, %dma_start3A_78] : memref<32x64x16xf32, #tpu.memory_space<hbm>> -> memref<1x64x16xf32, #tpu.memory_space<hbm>>
      %dma_start3A_80 = tpu.memref_squeeze %dma_start3A_79 : memref<1x64x16xf32, #tpu.memory_space<hbm>> -> memref<64x16xf32, #tpu.memory_space<hbm>>
      %dma_start3A_81 = arith.constant 0 : i32
      %dma_start3A_82 = arith.constant 0 : i32
      %dma_start3A_83 = tpu.memref_slice %arg5[%add3A, %dma_start3A_81, %dma_start3A_82] : memref<32x64x16xf32, #tpu.memory_space<hbm>> -> memref<1x64x16xf32, #tpu.memory_space<hbm>>
      %dma_start3A_84 = tpu.memref_squeeze %dma_start3A_83 : memref<1x64x16xf32, #tpu.memory_space<hbm>> -> memref<64x16xf32, #tpu.memory_space<hbm>>
      tpu.enqueue_dma source(%arg8 : memref<64x16xf32, #tpu.memory_space<vmem>>) target(%dma_start3A_84 : memref<64x16xf32, #tpu.memory_space<hbm>>) target_semaphore(%run_scoped3A : memref<!tpu.dma_semaphore, #tpu.memory_space<semaphore_mem>>)
      %dma_wait3A_85 = arith.constant 0 : i32
      %dma_wait3A_86 = arith.constant 0 : i32
      %dma_wait3A_87 = tpu.memref_slice %arg5[%add3A, %dma_wait3A_85, %dma_wait3A_86] : memref<32x64x16xf32, #tpu.memory_space<hbm>> -> memref<1x64x16xf32, #tpu.memory_space<hbm>>
      %dma_wait3A_88 = tpu.memref_squeeze %dma_wait3A_87 : memref<1x64x16xf32, #tpu.memory_space<hbm>> -> memref<64x16xf32, #tpu.memory_space<hbm>>
      %dma_wait3A_89 = arith.constant 0 : i32
      %dma_wait3A_90 = arith.constant 0 : i32
      %dma_wait3A_91 = tpu.memref_slice %arg5[%add3A, %dma_wait3A_89, %dma_wait3A_90] : memref<32x64x16xf32, #tpu.memory_space<hbm>> -> memref<1x64x16xf32, #tpu.memory_space<hbm>>
      %dma_wait3A_92 = tpu.memref_squeeze %dma_wait3A_91 : memref<1x64x16xf32, #tpu.memory_space<hbm>> -> memref<64x16xf32, #tpu.memory_space<hbm>>
      tpu.wait_dma2 semaphore(%run_scoped3A : memref<!tpu.dma_semaphore, #tpu.memory_space<semaphore_mem>>) src(%arg8 : memref<64x16xf32, #tpu.memory_space<vmem>>) dst(%dma_wait3A_92 : memref<64x16xf32, #tpu.memory_space<hbm>>)
      tpu.yield
    }) : () -> ()
    return
  }
}

module attributes {stable_mosaic.version = 14 : i64} {
  func.func @_tc_sum_kernel(%arg0: i32, %arg1: memref<1x1x2440xi32, #tpu.memory_space<vmem>>, %arg2: memref<2440x512xf32, #tpu.memory_space<vmem>>, %arg3: memref<64x512xf32, #tpu.memory_space<vmem>>, %arg4: memref<64x128xf32, #tpu.memory_space<vmem>>) attributes {dimension_semantics = [#tpu.dimension_semantics<arbitrary>], iteration_bounds = array<i64: 2>, scalar_prefetch = 0 : i64, scratch_operands = 0 : i64, tpu.core_type = #tpu.core_type<tc>, window_params = [{transform_indices = @transform_0, window_bounds = array<i64: 1, 1, 2440>}, {transform_indices = @transform_1, window_bounds = array<i64: 2440, 512>}, {pipeline_mode = #tpu.pipeline_mode<synchronous>, transform_indices = @transform_2, window_bounds = array<i64: 64, 512>}, {pipeline_mode = #tpu.pipeline_mode<synchronous>, transform_indices = @transform_3, window_bounds = array<i64: 64, 128>}]} {
    %eq3A = arith.constant 0 : i32
    %eq3A_0 = arith.cmpi eq, %arg0, %eq3A : i32
    %convert_element_type3A = arith.extui %eq3A_0 : i1 to i32
    %cond3A = arith.constant 0 : i32
    %cond3A_1 = arith.cmpi ne, %convert_element_type3A, %cond3A : i32
    scf.if %cond3A_1 {
      %broadcast_in_dim3A_29 = arith.constant 0.000000e+00 : f32
      %broadcast_in_dim3A_30 = vector.broadcast %broadcast_in_dim3A_29 : f32 to vector<64x512xf32>
      %swap3A_31 = arith.constant 0 : index
      %swap3A_32 = arith.constant 0 : index
      %swap3A_33 = vector.load %arg3[%swap3A_31, %swap3A_32] : memref<64x512xf32, #tpu.memory_space<vmem>>, vector<64x512xf32>
      tpu.vector_store %arg3[%swap3A_31, %swap3A_32], %broadcast_in_dim3A_30 {strides = array<i32>} : memref<64x512xf32, #tpu.memory_space<vmem>>, vector<64x512xf32>,
      %broadcast_in_dim3A_34 = arith.constant 0.000000e+00 : f32
      %broadcast_in_dim3A_35 = vector.broadcast %broadcast_in_dim3A_34 : f32 to vector<64x128xf32>
      %swap3A_36 = arith.constant 0 : index
      %swap3A_37 = arith.constant 0 : index
      %swap3A_38 = vector.load %arg4[%swap3A_36, %swap3A_37] : memref<64x128xf32, #tpu.memory_space<vmem>>, vector<64x128xf32>
      tpu.vector_store %arg4[%swap3A_36, %swap3A_37], %broadcast_in_dim3A_35 {strides = array<i32>} : memref<64x128xf32, #tpu.memory_space<vmem>>, vector<64x128xf32>,
    } else {
    }
    %get3A = arith.constant 0 : index
    %get3A_2 = arith.constant 0 : index
    %get3A_3 = arith.constant 0 : index
    %get3A_4 = vector.load %arg1[%get3A, %get3A_2, %get3A_3] : memref<1x1x2440xi32, #tpu.memory_space<vmem>>, vector<1x1x2440xi32>
    %get3A_5 = vector.shape_cast %get3A_4 : vector<1x1x2440xi32> to vector<2440xi32>
    %iota3A = tpu.iota {dimensions = array<i32: 0>} : vector<64x2440xi32>
    %broadcast_in_dim3A = vector.shape_cast %get3A_5 : vector<2440xi32> to vector<1x2440xi32>
    %eq3A_6 = vector.broadcast %broadcast_in_dim3A : vector<1x2440xi32> to vector<64x2440xi32>
    %eq3A_7 = arith.cmpi eq, %eq3A_6, %iota3A : vector<64x2440xi32>
    %convert_element_type3A_8 = arith.extui %eq3A_7 : vector<64x2440xi1> to vector<64x2440xi32>
    %convert_element_type3A_9 = arith.sitofp %convert_element_type3A_8 : vector<64x2440xi32> to vector<64x2440xf32>
    %get3A_10 = arith.constant 0 : index
    %get3A_11 = arith.constant 0 : index
    %get3A_12 = vector.load %arg3[%get3A_10, %get3A_11] : memref<64x512xf32, #tpu.memory_space<vmem>>, vector<64x512xf32>
    %get3A_13 = arith.constant 0 : index
    %get3A_14 = arith.constant 0 : index
    %get3A_15 = vector.load %arg2[%get3A_13, %get3A_14] : memref<2440x512xf32, #tpu.memory_space<vmem>>, vector<2440x512xf32>
    %dot_general3A = arith.constant dense<0.000000e+00> : vector<64x512xf32>
    %dot_general3A_16 = tpu.matmul %convert_element_type3A_9, %get3A_15, %dot_general3A {dimension_numbers = #tpu.dot_dimension_numbers<[1], [0], [0], [1], [0, 0, 1, 1], [], []>, transpose_lhs_hint = false} : vector<64x2440xf32>, vector<2440x512xf32>, vector<64x512xf32> -> vector<64x512xf32>
    %add3A = arith.addf %get3A_12, %dot_general3A_16 : vector<64x512xf32>
    %swap3A = arith.constant 0 : index
    %swap3A_17 = arith.constant 0 : index
    %swap3A_18 = vector.load %arg3[%swap3A, %swap3A_17] : memref<64x512xf32, #tpu.memory_space<vmem>>, vector<64x512xf32>
    tpu.vector_store %arg3[%swap3A, %swap3A_17], %add3A {strides = array<i32>} : memref<64x512xf32, #tpu.memory_space<vmem>>, vector<64x512xf32>,
    %get3A_19 = arith.constant 0 : index
    %get3A_20 = arith.constant 0 : index
    %get3A_21 = vector.load %arg4[%get3A_19, %get3A_20] : memref<64x128xf32, #tpu.memory_space<vmem>>, vector<64x128xf32>
    %reduce_sum3A = arith.constant dense<0.000000e+00> : vector<64xf32>
    %reduce_sum3A_22 = vector.multi_reduction <add>, %convert_element_type3A_9, %reduce_sum3A [1] : vector<64x2440xf32> to vector<64xf32>
    %broadcast_in_dim3A_23 = vector.shape_cast %reduce_sum3A_22 : vector<64xf32> to vector<64x1xf32>
    %add3A_24 = vector.broadcast %broadcast_in_dim3A_23 : vector<64x1xf32> to vector<64x128xf32>
    %add3A_25 = arith.addf %get3A_21, %add3A_24 : vector<64x128xf32>
    %swap3A_26 = arith.constant 0 : index
    %swap3A_27 = arith.constant 0 : index
    %swap3A_28 = vector.load %arg4[%swap3A_26, %swap3A_27] : memref<64x128xf32, #tpu.memory_space<vmem>>, vector<64x128xf32>
    tpu.vector_store %arg4[%swap3A_26, %swap3A_27], %add3A_25 {strides = array<i32>} : memref<64x128xf32, #tpu.memory_space<vmem>>, vector<64x128xf32>,
    return
  }
  func.func @transform_0(%arg0: i32) -> (i32, i32, i32) {
    %c0_i32 = arith.constant 0 : i32
    %c0_i32_0 = arith.constant 0 : i32
    %c0_i32_1 = arith.constant 0 : i32
    return %arg0, %c0_i32, %c0_i32_0 : i32, i32, i32
  }
  func.func @transform_1(%arg0: i32) -> (i32, i32) {
    %c0_i32 = arith.constant 0 : i32
    %c0_i32_0 = arith.constant 0 : i32
    return %arg0, %c0_i32 : i32, i32
  }
  func.func @transform_2(%arg0: i32) -> (i32, i32) {
    %c0_i32 = arith.constant 0 : i32
    %c0_i32_0 = arith.constant 0 : i32
    %c0_i32_1 = arith.constant 0 : i32
    return %c0_i32, %c0_i32_0 : i32, i32
  }
  func.func @transform_3(%arg0: i32) -> (i32, i32) {
    %c0_i32 = arith.constant 0 : i32
    %c0_i32_0 = arith.constant 0 : i32
    %c0_i32_1 = arith.constant 0 : i32
    return %c0_i32, %c0_i32_0 : i32, i32
  }
}

module attributes {stable_mosaic.version = 14 : i64} {
  func.func @_mlp_kernel(%arg0: i32, %arg1: memref<64x512xf32, #tpu.memory_space<vmem>>, %arg2: memref<64x128xf32, #tpu.memory_space<vmem>>, %arg3: memref<32x64x512xf32, #tpu.memory_space<vmem>>, %arg4: memref<32x64x16xf32, #tpu.memory_space<vmem>>, %arg5: memref<512x512xf32, #tpu.memory_space<vmem>>, %arg6: memref<1x512xf32, #tpu.memory_space<vmem>>, %arg7: memref<1x512xf32, #tpu.memory_space<vmem>>, %arg8: memref<1x512xf32, #tpu.memory_space<vmem>>, %arg9: memref<512x128xf32, #tpu.memory_space<vmem>>, %arg10: memref<1x128xf32, #tpu.memory_space<vmem>>, %arg11: memref<64x128xf32, #tpu.memory_space<vmem>>) attributes {dimension_semantics = [#tpu.dimension_semantics<arbitrary>], iteration_bounds = array<i64: 1>, scalar_prefetch = 0 : i64, scratch_operands = 0 : i64, tpu.core_type = #tpu.core_type<tc>, window_params = [{pipeline_mode = #tpu.pipeline_mode<synchronous>, transform_indices = @transform_0, window_bounds = array<i64: 64, 512>}, {pipeline_mode = #tpu.pipeline_mode<synchronous>, transform_indices = @transform_1, window_bounds = array<i64: 64, 128>}, {pipeline_mode = #tpu.pipeline_mode<synchronous>, transform_indices = @transform_2, window_bounds = array<i64: 32, 64, 512>}, {pipeline_mode = #tpu.pipeline_mode<synchronous>, transform_indices = @transform_3, window_bounds = array<i64: 32, 64, 16>}, {pipeline_mode = #tpu.pipeline_mode<synchronous>, transform_indices = @transform_4, window_bounds = array<i64: 512, 512>}, {pipeline_mode = #tpu.pipeline_mode<synchronous>, transform_indices = @transform_5, window_bounds = array<i64: 1, 512>}, {pipeline_mode = #tpu.pipeline_mode<synchronous>, transform_indices = @transform_6, window_bounds = array<i64: 1, 512>}, {pipeline_mode = #tpu.pipeline_mode<synchronous>, transform_indices = @transform_7, window_bounds = array<i64: 1, 512>}, {pipeline_mode = #tpu.pipeline_mode<synchronous>, transform_indices = @transform_8, window_bounds = array<i64: 512, 128>}, {pipeline_mode = #tpu.pipeline_mode<synchronous>, transform_indices = @transform_9, window_bounds = array<i64: 1, 128>}, {pipeline_mode = #tpu.pipeline_mode<synchronous>, transform_indices = @transform_10, window_bounds = array<i64: 64, 128>}]} {
    %get3A = arith.constant 0 : index
    %get3A_0 = arith.constant 0 : index
    %get3A_1 = vector.load %arg1[%get3A, %get3A_0] : memref<64x512xf32, #tpu.memory_space<vmem>>, vector<64x512xf32>
    %get3A_2 = arith.constant 0 : index
    %get3A_3 = arith.constant 0 : index
    %get3A_4 = arith.constant 0 : index
    %get3A_5 = vector.load %arg3[%get3A_2, %get3A_3, %get3A_4] : memref<32x64x512xf32, #tpu.memory_space<vmem>>, vector<32x64x512xf32>
    %reduce_sum3A = arith.constant dense<0.000000e+00> : vector<64x512xf32>
    %reduce_sum3A_6 = vector.multi_reduction <add>, %get3A_5, %reduce_sum3A [0] : vector<32x64x512xf32> to vector<64x512xf32>
    %add3A = arith.addf %get3A_1, %reduce_sum3A_6 : vector<64x512xf32>
    %get3A_7 = arith.constant 0 : index
    %get3A_8 = arith.constant 0 : index
    %get3A_9 = vector.load %arg2[%get3A_7, %get3A_8] : memref<64x128xf32, #tpu.memory_space<vmem>>, vector<64x1xf32>
    %get3A_10 = arith.constant 0 : index
    %get3A_11 = arith.constant 0 : index
    %get3A_12 = arith.constant 0 : index
    %get3A_13 = vector.load %arg4[%get3A_10, %get3A_11, %get3A_12] : memref<32x64x16xf32, #tpu.memory_space<vmem>>, vector<32x64x16xf32>
    %reduce_sum3A_14 = arith.constant dense<0.000000e+00> : vector<64x16xf32>
    %reduce_sum3A_15 = vector.multi_reduction <add>, %get3A_13, %reduce_sum3A_14 [0] : vector<32x64x16xf32> to vector<64x16xf32>
    %slice3A = vector.extract_strided_slice %reduce_sum3A_15 {offsets = [0, 0], sizes = [64, 1], strides = [1, 1]} : vector<64x16xf32> to vector<64x1xf32>
    %add3A_16 = arith.addf %get3A_9, %slice3A : vector<64x1xf32>
    %jit3A = arith.constant 1.000000e+00 : f32
    %max3A = vector.broadcast %jit3A : f32 to vector<64x1xf32>
    %max3A_17 = arith.maximumf %max3A, %add3A_16 : vector<64x1xf32>
    %div3A = vector.broadcast %max3A_17 : vector<64x1xf32> to vector<64x512xf32>
    %div3A_18 = arith.divf %add3A, %div3A : vector<64x512xf32>
    %get3A_19 = arith.constant 0 : index
    %get3A_20 = arith.constant 0 : index
    %get3A_21 = vector.load %arg5[%get3A_19, %get3A_20] : memref<512x512xf32, #tpu.memory_space<vmem>>, vector<512x512xf32>
    %dot_general3A = arith.constant dense<0.000000e+00> : vector<64x512xf32>
    %dot_general3A_22 = tpu.matmul %div3A_18, %get3A_21, %dot_general3A {dimension_numbers = #tpu.dot_dimension_numbers<[1], [1], [0], [0], [0, 0, 1, 0], [], []>, transpose_lhs_hint = false} : vector<64x512xf32>, vector<512x512xf32>, vector<64x512xf32> -> vector<64x512xf32>
    %get3A_23 = arith.constant 0 : index
    %get3A_24 = arith.constant 0 : index
    %get3A_25 = vector.load %arg6[%get3A_23, %get3A_24] : memref<1x512xf32, #tpu.memory_space<vmem>>, vector<1x512xf32>
    %add3A_26 = vector.broadcast %get3A_25 : vector<1x512xf32> to vector<64x512xf32>
    %add3A_27 = arith.addf %dot_general3A_22, %add3A_26 : vector<64x512xf32>
    %reduce_sum3A_28 = arith.constant dense<0.000000e+00> : vector<512xf32>
    %reduce_sum3A_29 = vector.multi_reduction <add>, %add3A_27, %reduce_sum3A_28 [0] : vector<64x512xf32> to vector<512xf32>
    %broadcast_in_dim3A = vector.shape_cast %reduce_sum3A_29 : vector<512xf32> to vector<1x512xf32>
    %div3A_30 = arith.constant 6.400000e+01 : f32
    %div3A_31 = vector.broadcast %div3A_30 : f32 to vector<1x512xf32>
    %div3A_32 = arith.divf %broadcast_in_dim3A, %div3A_31 : vector<1x512xf32>
    %sub3A = vector.broadcast %div3A_32 : vector<1x512xf32> to vector<64x512xf32>
    %sub3A_33 = arith.subf %add3A_27, %sub3A : vector<64x512xf32>
    %sub3A_34 = vector.broadcast %div3A_32 : vector<1x512xf32> to vector<64x512xf32>
    %sub3A_35 = arith.subf %add3A_27, %sub3A_34 : vector<64x512xf32>
    %mul3A = arith.mulf %sub3A_33, %sub3A_35 : vector<64x512xf32>
    %reduce_sum3A_36 = arith.constant dense<0.000000e+00> : vector<512xf32>
    %reduce_sum3A_37 = vector.multi_reduction <add>, %mul3A, %reduce_sum3A_36 [0] : vector<64x512xf32> to vector<512xf32>
    %broadcast_in_dim3A_38 = vector.shape_cast %reduce_sum3A_37 : vector<512xf32> to vector<1x512xf32>
    %div3A_39 = arith.constant 6.400000e+01 : f32
    %div3A_40 = vector.broadcast %div3A_39 : f32 to vector<1x512xf32>
    %div3A_41 = arith.divf %broadcast_in_dim3A_38, %div3A_40 : vector<1x512xf32>
    %sub3A_42 = vector.broadcast %div3A_32 : vector<1x512xf32> to vector<64x512xf32>
    %sub3A_43 = arith.subf %add3A_27, %sub3A_42 : vector<64x512xf32>
    %add3A_44 = arith.constant 9.99999974E-6 : f32
    %add3A_45 = vector.broadcast %add3A_44 : f32 to vector<1x512xf32>
    %add3A_46 = arith.addf %div3A_41, %add3A_45 : vector<1x512xf32>
    %sqrt3A = math.sqrt %add3A_46 : vector<1x512xf32>
    %div3A_47 = vector.broadcast %sqrt3A : vector<1x512xf32> to vector<64x512xf32>
    %div3A_48 = arith.divf %sub3A_43, %div3A_47 : vector<64x512xf32>
    %get3A_49 = arith.constant 0 : index
    %get3A_50 = arith.constant 0 : index
    %get3A_51 = vector.load %arg7[%get3A_49, %get3A_50] : memref<1x512xf32, #tpu.memory_space<vmem>>, vector<1x512xf32>
    %mul3A_52 = vector.broadcast %get3A_51 : vector<1x512xf32> to vector<64x512xf32>
    %mul3A_53 = arith.mulf %div3A_48, %mul3A_52 : vector<64x512xf32>
    %get3A_54 = arith.constant 0 : index
    %get3A_55 = arith.constant 0 : index
    %get3A_56 = vector.load %arg8[%get3A_54, %get3A_55] : memref<1x512xf32, #tpu.memory_space<vmem>>, vector<1x512xf32>
    %add3A_57 = vector.broadcast %get3A_56 : vector<1x512xf32> to vector<64x512xf32>
    %add3A_58 = arith.addf %mul3A_53, %add3A_57 : vector<64x512xf32>
    %max3A_59 = arith.constant 0.000000e+00 : f32
    %max3A_60 = vector.broadcast %max3A_59 : f32 to vector<64x512xf32>
    %max3A_61 = arith.maximumf %add3A_58, %max3A_60 : vector<64x512xf32>
    %get3A_62 = arith.constant 0 : index
    %get3A_63 = arith.constant 0 : index
    %get3A_64 = vector.load %arg9[%get3A_62, %get3A_63] : memref<512x128xf32, #tpu.memory_space<vmem>>, vector<512x128xf32>
    %dot_general3A_65 = arith.constant dense<0.000000e+00> : vector<64x128xf32>
    %dot_general3A_66 = tpu.matmul %max3A_61, %get3A_64, %dot_general3A_65 {dimension_numbers = #tpu.dot_dimension_numbers<[1], [0], [0], [1], [0, 0, 1, 1], [], []>, transpose_lhs_hint = false} : vector<64x512xf32>, vector<512x128xf32>, vector<64x128xf32> -> vector<64x128xf32>
    %get3A_67 = arith.constant 0 : index
    %get3A_68 = arith.constant 0 : index
    %get3A_69 = vector.load %arg10[%get3A_67, %get3A_68] : memref<1x128xf32, #tpu.memory_space<vmem>>, vector<1x128xf32>
    %add3A_70 = vector.broadcast %get3A_69 : vector<1x128xf32> to vector<64x128xf32>
    %add3A_71 = arith.addf %dot_general3A_66, %add3A_70 : vector<64x128xf32>
    %swap3A = arith.constant 0 : index
    %swap3A_72 = arith.constant 0 : index
    %swap3A_73 = vector.load %arg11[%swap3A, %swap3A_72] : memref<64x128xf32, #tpu.memory_space<vmem>>, vector<64x128xf32>
    tpu.vector_store %arg11[%swap3A, %swap3A_72], %add3A_71 {strides = array<i32>} : memref<64x128xf32, #tpu.memory_space<vmem>>, vector<64x128xf32>,
    return
  }
  func.func @transform_0(%arg0: i32) -> (i32, i32) {
    %c0_i32 = arith.constant 0 : i32
    %c0_i32_0 = arith.constant 0 : i32
    %c0_i32_1 = arith.constant 0 : i32
    return %c0_i32, %c0_i32_0 : i32, i32
  }
  func.func @transform_1(%arg0: i32) -> (i32, i32) {
    %c0_i32 = arith.constant 0 : i32
    %c0_i32_0 = arith.constant 0 : i32
    %c0_i32_1 = arith.constant 0 : i32
    return %c0_i32, %c0_i32_0 : i32, i32
  }
  func.func @transform_2(%arg0: i32) -> (i32, i32, i32) {
    %c0_i32 = arith.constant 0 : i32
    %c0_i32_0 = arith.constant 0 : i32
    %c0_i32_1 = arith.constant 0 : i32
    %c0_i32_2 = arith.constant 0 : i32
    return %c0_i32, %c0_i32_0, %c0_i32_1 : i32, i32, i32
  }
  func.func @transform_3(%arg0: i32) -> (i32, i32, i32) {
    %c0_i32 = arith.constant 0 : i32
    %c0_i32_0 = arith.constant 0 : i32
    %c0_i32_1 = arith.constant 0 : i32
    %c0_i32_2 = arith.constant 0 : i32
    return %c0_i32, %c0_i32_0, %c0_i32_1 : i32, i32, i32
  }
  func.func @transform_4(%arg0: i32) -> (i32, i32) {
    %c0_i32 = arith.constant 0 : i32
    %c0_i32_0 = arith.constant 0 : i32
    %c0_i32_1 = arith.constant 0 : i32
    return %c0_i32, %c0_i32_0 : i32, i32
  }
  func.func @transform_5(%arg0: i32) -> (i32, i32) {
    %c0_i32 = arith.constant 0 : i32
    %c0_i32_0 = arith.constant 0 : i32
    %c0_i32_1 = arith.constant 0 : i32
    return %c0_i32, %c0_i32_0 : i32, i32
  }
  func.func @transform_6(%arg0: i32) -> (i32, i32) {
    %c0_i32 = arith.constant 0 : i32
    %c0_i32_0 = arith.constant 0 : i32
    %c0_i32_1 = arith.constant 0 : i32
    return %c0_i32, %c0_i32_0 : i32, i32
  }
  func.func @transform_7(%arg0: i32) -> (i32, i32) {
    %c0_i32 = arith.constant 0 : i32
    %c0_i32_0 = arith.constant 0 : i32
    %c0_i32_1 = arith.constant 0 : i32
    return %c0_i32, %c0_i32_0 : i32, i32
  }
  func.func @transform_8(%arg0: i32) -> (i32, i32) {
    %c0_i32 = arith.constant 0 : i32
    %c0_i32_0 = arith.constant 0 : i32
    %c0_i32_1 = arith.constant 0 : i32
    return %c0_i32, %c0_i32_0 : i32, i32
  }
  func.func @transform_9(%arg0: i32) -> (i32, i32) {
    %c0_i32 = arith.constant 0 : i32
    %c0_i32_0 = arith.constant 0 : i32
    %c0_i32_1 = arith.constant 0 : i32
    return %c0_i32, %c0_i32_0 : i32, i32
  }
  func.func @transform_10(%arg0: i32) -> (i32, i32) {
    %c0_i32 = arith.constant 0 : i32
    %c0_i32_0 = arith.constant 0 : i32
    %c0_i32_1 = arith.constant 0 : i32
    return %c0_i32, %c0_i32_0 : i32, i32
  }
}

</mosaic_0001>

<sc_bundles>
// kernel: kernel.5.cloned.1.call-start
scs
__scs_entry_jumppad:
0x0: {  	(pc) =	sbr.rel $0x88, $3  }
0x1: {  	(tag) =	ssettag $0x0;
	lr =	simm.s32 $0x1  }
0x2: {  	[smem:$0x3F99] =	sst lr;
	_ =	strace $0xD0000000  }
0x3: {  	_ = 	snop  }
0x4: {  	_ = 	snop  }
0x5: {  	_ = 	snop  }
0x6: {  	_ = 	snop  }
0x7: {  	_ = 	snop  }
__scs_overlays_trampoline_lowered:
0x8: {  	[smem:$0x3FA8] =	sst s0  }
0x9: {  	[smem:$0x3FA9] =	sst s1  }
0xa: {  	[smem:$0x3FAA] =	sst s2  }
0xb: {  	[smem:$0x3FAB] =	sst s3  }
0xc: {  	[smem:$0x3FAC] =	sst s4  }
0xd: {  	[smem:$0x3FAD] =	sst s5  }
0xe: {  	[smem:$0x3FAE] =	sst s6  }
0xf: {  	[smem:$0x3FAF] =	sst s7  }
0x10: {  	[smem:$0x3FB0] =	sst s8  }
0x11: {  	[smem:$0x3FB1] =	sst s9;
	s0 =	simm.s32 @!p0 $0x0  }
0x12: {  	s1 =	sld [smem:$0x3F97];
	s0 =	simm.s32 @p0 $0x1  }
0x13: {  	[smem:$0x3FB2] =	sst s0;
	s0 =	simm.s32 @!p1 $0x0  }
0x14: {  	s2 =	sld [smem:$0x3F96];
	s0 =	simm.s32 @p1 $0x1  }
0x15: {  	[smem:$0x3FB3] =	sst s0;
	s0 =	simm.s32 @!p2 $0x0  }
0x16: {  	s3 =	sld [smem:$0x3FDB];
	s0 =	simm.s32 @p2 $0x1  }
0x17: {  	s4 =	simm.s32 $0x1BF5;
	[smem:$0x3FB5] =	sst s0  }
0x18: {  	s0 =	sld [smem:$0x3F98];
	_ =	swait.ge [sflag:s4], $0x0  }
0x19: {  	s7 =	sld [smem:$0x3F99]  }
0x1a: {  	s8 =	sadd.s32 $0xFFFFE003, lr  }
0x1b: {  	s9 =	sadd.s32 $0xFFFFFEF7, lr;
	s5 =	simm.s32 $0xFFFFFFFF;
	p2 =	slt.u32 s8, $0xFFFFF086  }
0x1c: {  	p1 =	slt.u32 s9, $0xF7A;
	s5 =	simm.s32 @!p2 $0x0  }
0x1d: {  	s5 =	simm.s32 @p1 $0x1;
	p0 =	seq.s32 s7, s2  }
0x1e: {  	s7 =	smul.u32 @!p0 $0xF7A, s2;
	p2 =	seq.s32 @!p0 s5, $0x0  }
0x1f: {  	s9 =	smul.u32 $0xF7A, s1;
	s8 =	simm.s32 @!p0 $0x1BF5;
	p2 =	por !p2, p0  }
0x20: {  	[sflag:s8] =	ssyncset.s32 @!p0 $0xFFFFF086;
	s6 =	sadd.s32 @!p0 s3, s7;
	s7 =	simm.s32 @!p0 $0x108  }
0x21: {  	s3 =	sadd.s32 s3, s9;
	s6 =	sadd.s32 @!p0 $0x88, s6;
	s7 =	simm.s32 @p2 $0x1082  }
0x22: {  	[simem:s7], [sflag:s8] =	dma.local @!p0 [hbm:s6], $0xF7A  }
0x23: {  	s9 =	sor.u32 $0xD0000000, s2;
	s6 =	simm.s32 $0x108;
	_ =	swait.ge @!p0 [sflag:s8], $0x0  }
0x24: {  	s3 =	sadd.s32 $0x88, s3;
	s6 =	simm.s32 @!p1 $0x1082;
	[sflag:s4] =	ssyncset.s32 $0xFFFFF086  }
0x25: {  	[simem:s6], [sflag:s4] =	dma.local [hbm:s3], $0xF7A  }
0x26: {  	[smem:$0x3F99] =	sst s1;
	(tag) =	ssettag s2;
	_ =	strace s9  }
0x27: {  	s1 =	sld [smem:$0x3FA9]  }
0x28: {  	s2 =	sld [smem:$0x3FAA]  }
0x29: {  	s4 =	sld [smem:$0x3FAC]  }
0x2a: {  	p0 =	seq.s32 s5, $0x0;
	s5 =	sld [smem:$0x3FAD]  }
0x2b: {  	s6 =	sld [smem:$0x3FAE]  }
0x2c: {  	s7 =	sld [smem:$0x3FAF]  }
0x2d: {  	s3 =	simm.s32 $0x108;
	s8 =	sld [smem:$0x3FB0]  }
0x2e: {  	s3 =	simm.s32 @!p0 $0x1082;
	s9 =	sld [smem:$0x3FB1]  }
0x2f: {  	lr =	sadd.s32 s0, s3;
	s0 =	sld [smem:$0x3FA8]  }
0x30: {  	s3 =	sld [smem:$0x3FAB]  }
0x31: {  	[smem:$0x3FB4] =	sst s10  }
0x32: {  	s10 =	sld [smem:$0x3FB2];
	_ =	sdelay $0x3  }
0x33: {  	p0 =	seq.s32 s10, $0x1;
	s10 =	sld [smem:$0x3FB4];
	_ =	sdelay $0x3  }
0x34: {  	[smem:$0x3FB4] =	sst s10  }
0x35: {  	s10 =	sld [smem:$0x3FB3];
	_ =	sdelay $0x3  }
0x36: {  	p1 =	seq.s32 s10, $0x1;
	s10 =	sld [smem:$0x3FB4];
	_ =	sdelay $0x3  }
0x37: {  	[smem:$0x3FB4] =	sst s10  }
0x38: {  	s10 =	sld [smem:$0x3FB5]  }
0x39: {  	_ = 	snop;
	(pc) =	sbr.ind lr, $3  }
0x3a: {  	_ = 	snop  }
0x3b: {  	_ = 	snop  }
0x3c: {  	p2 =	seq.s32 s10, $0x1;
	s10 =	sld [smem:$0x3FB4]  }
0x3d: {  	_ =	shalt  }
0x3e: {  	_ =	shalt  }
0x3f: {  	_ =	shalt  }
0x40: {  	_ =	shalt  }
0x41: {  	_ =	shalt  }
0x42: {  	_ =	shalt  }
0x43: {  	_ =	shalt  }
0x44: {  	_ =	shalt  }
0x45: {  	_ =	shalt  }
0x46: {  	_ =	shalt  }
0x47: {  	_ =	shalt  }
0x48: {  	_ =	shalt  }
0x49: {  	_ =	shalt  }
0x4a: {  	_ =	shalt  }
0x4b: {  	_ =	shalt  }
0x4c: {  	_ =	shalt  }
0x4d: {  	_ =	shalt  }
0x4e: {  	_ =	shalt  }
0x4f: {  	_ =	shalt  }
0x50: {  	_ =	shalt  }
0x51: {  	_ =	shalt  }
0x52: {  	_ =	shalt  }
0x53: {  	_ =	shalt  }
0x54: {  	_ =	shalt  }
0x55: {  	_ =	shalt  }
0x56: {  	_ =	shalt  }
0x57: {  	_ =	shalt  }
0x58: {  	_ =	shalt  }
0x59: {  	_ =	shalt  }
0x5a: {  	_ =	shalt  }
0x5b: {  	_ =	shalt  }
0x5c: {  	_ =	shalt  }
0x5d: {  	_ =	shalt  }
0x5e: {  	_ =	shalt  }
0x5f: {  	_ =	shalt  }
0x60: {  	_ =	shalt  }
0x61: {  	_ =	shalt  }
0x62: {  	_ =	shalt  }
0x63: {  	_ =	shalt  }
0x64: {  	_ =	shalt  }
0x65: {  	_ =	shalt  }
0x66: {  	_ =	shalt  }
0x67: {  	_ =	shalt  }
0x68: {  	_ =	shalt  }
0x69: {  	_ =	shalt  }
0x6a: {  	_ =	shalt  }
0x6b: {  	_ =	shalt  }
0x6c: {  	_ =	shalt  }
0x6d: {  	_ =	shalt  }
0x6e: {  	_ =	shalt  }
0x6f: {  	_ =	shalt  }
0x70: {  	_ =	shalt  }
0x71: {  	_ =	shalt  }
0x72: {  	_ =	shalt  }
0x73: {  	_ =	shalt  }
0x74: {  	_ =	shalt  }
0x75: {  	_ =	shalt  }
0x76: {  	_ =	shalt  }
0x77: {  	_ =	shalt  }
0x78: {  	_ =	shalt  }
0x79: {  	_ =	shalt  }
0x7a: {  	_ =	shalt  }
0x7b: {  	_ =	shalt  }
0x7c: {  	_ =	shalt  }
0x7d: {  	_ =	shalt  }
0x7e: {  	_ =	shalt  }
0x7f: {  	_ =	shalt  }
0x80: {  	_ =	shalt  }
0x81: {  	_ =	shalt  }
0x82: {  	_ =	shalt  }
0x83: {  	_ =	shalt  }
0x84: {  	_ =	shalt  }
0x85: {  	_ =	shalt  }
0x86: {  	_ =	shalt  }
0x87: {  	_ =	shalt  }
.Lfunc_end0:
.L_simem_size_0:
called_computation_lowered:
.L_overlay_start_0:
0x88: {  	s2 =	sld [smem:$0x3FD9]  }
0x89: {  	s3 =	sld [smem:$0x3FFE];
	_ =	sdelay $0x1  }
0x8a: {  	s1 =	srdreg.scid  }
0x8b: {  	s0 =	sand.u32 $0x1, s1  }
0x8c: {  	s17 =	sshll.u32 s0, $0xA;
	s2 =	sadd.s32 s3, s2  }
0x8d: {  	s2 =	sadd.s32 s2, s17  }
0x8e: {  	[smem:$0x3FC0] =	sst s2  }
0x8f: {  	_ = 	snop  }
0x90: {  	s2 =	sld [smem:$0x3FC9]  }
0x91: {  	s18 =	sld [smem:$0x3FC8];
	(tm) =	ssettm $0x1  }
0x92: {  	s4 =	sld [smem:$0x3FFB];
	_ =	sdelay $0x3  }
0x93: {  	_ =	strace s4  }
0x94: {  	s4 =	sld [smem:$0x3FFC];
	_ =	sdelay $0x3  }
0x95: {  	_ =	strace s4  }
0x96: {  	s4 =	sld [smem:$0x3FFD];
	_ =	sdelay $0x3  }
0x97: {  	_ =	strace s4  }
0x98: {  	_ =	strace $0x8FFFFFFF  }
0x99: {  	s19 =	sld [smem:$0x3FDB];
	_ =	sdelay $0x1  }
0x9a: {  	s5 =	simm.s32 $_scs_section_size  }
0x9b: {  	s6 =	simm.s32 $_size__tile_overlayer_lowered;
	s7 =	simm.s32 $_tile_overlayer_lowered  }
0x9c: {  	s22 =	simm.s32 $0x1BFF;
	s21 =	sshll.u32 s7, $0x1;
	s4 =	sadd.s32 s5, s19  }
0x9d: {  	s8 =	simm.s32 $0x0;
	s20 =	sshll.u32 s6, $0x1;
	s6 =	sadd.s32 s21, s4  }
0x9e: {  	[timem:s8], [sflag:s22] =	dma.local [hbm:s6], s20  }
0x9f: {  	_ =	swait.ge [sflag:s22], s20  }
0xa0: {  	s5 =	ssub.s32 $0x0, s20;
	[sflag:s22] =	ssyncset.done $0x0  }
0xa1: {  	[sflag:s22] =	ssyncadd.s32 s5;
	_ =	sdelay $0x1  }
0xa2: {  	s23 =	simm.s32 $0x1B8B  }
0xa3: {  	_ =	swait.ge [sflag:s23], $0x1  }
0xa4: {  	[sflag:s23] =	ssyncset.done $0x0  }
0xa5: {  	s25 =	simm.s32 $0x1B8E;
	s24 =	sld [smem:$0x3FFE];
	[sflag:s23] =	ssyncadd.s32 $0xFFFFFFFF  }
0xa6: {  	s26 =	simm.s32 $execute0_lowered;
	[smem:$0x3FD2] =	sst s25  }
0xa7: {  	s6 =	sshll.u32 s26, $0x1;
	_ =	strace $0x80000046;
	[dreg:$0x1] =	wrdreg $0xFFFFFFFF  }
0xa8: {  	s28 =	simm.s32 $_size_execute0_lowered;
	s4 =	sadd.s32 s4, s6;
	[dreg:$0x0] =	wrdreg $0x0  }
0xa9: {  	s6 =	sshll.u32 s28, $0x1;
	[dreg:$0x2] =	wrdreg s4  }
0xaa: {  	[dreg:$0x3] =	wrdreg s6  }
0xab: {  	[dreg:$0x4] =	wrdreg $0xC0  }
0xac: {  	_ =	task [dreg:s8], $0x5FFFF  }
0xad: {  	[dreg:$0x1] =	wrdreg $0xFFFFFFFF  }
0xae: {  	[dreg:$0x0] =	wrdreg $0x60  }
0xaf: {  	[dreg:$0x2] =	wrdreg s2  }
0xb0: {  	[dreg:$0x3] =	wrdreg s18  }
0xb1: {  	[dreg:$0x4] =	wrdreg s24  }
0xb2: {  	[dreg:$0x5] =	wrdreg $0x9  }
0xb3: {  	_ =	task.clear_ibuf [dreg:s8], $0x6FFFF;
	_ =	strace $0x90000046  }
0xb4: {  	s29 =	simm.s32 $0x9;
	_ =	strace $0x80000048  }
0xb5: {  	_ =	swait.ge [sflag:s29], $0x1  }
0xb6: {  	[sflag:s29] =	ssyncadd.s32 $0xFFFFFFFF  }
0xb7: {  	_ =	strace $0x90000048  }
0xb8: {  	_ =	sfence  }
0xb9: {  	s30 =	sld [smem:$0x0];
	_ =	sdelay $0x2  }
0xba: {  	s31 =	sshll.u32 s1, $0xD;
	s1 =	sshrl.u32 s1, $0x2  }
0xbb: {  	s3 =	sand.u32 $0x4000, s31;
	s1 =	sadd.s32 s1, s30  }
0xbc: {  	s0 =	sor.u32 s3, s0;
	s1 =	sshll.u32 s1, $0x11  }
0xbd: {  	s0 =	sor.u32 s1, s0  }
0xbe: {  	s0 =	sadd.s32 $0x8F2B, s0  }
0xbf: {  	[sflag:s0] =	ssyncadd.remote.s32 $0x1  }
0xc0: {  	_ =	sfence.sel $0xFFFF  }
0xc1: {  	[dreg:$0x0] =	wrdreg $0xFFFFFFFF;
	(pc) =	sbr.abs _section_cstart, $3  }
0xc2: {  	[dreg:$0x1] =	wrdreg $0xFFFFFFFF  }
0xc3: {  	_ =	task.clear_ibuf [dreg:s8], $0x2FFFF;
	_ =	strace $0x9FFFFFFF  }
0xc4: {  	(tm) =	ssettm $0x7FFFFFFF  }
0xc5: {  	_ =	shalt  }
tec
execute0_lowered:
.L_overlay_start_1:
0x0: {  	(tag) =	ssettag $0x1  }
0x1: {  	s5 =	rddreg [dreg:$0x0]  }
0x2: {  	s3 =	rddreg [dreg:$0x1]  }
0x3: {  	s4 =	rddreg [dreg:$0x2];
	s1 =	srdreg.scid  }
0x4: {  	s0 =	rddreg [dreg:$0x3];
	s2 =	simm.s32 $0x0;
	s12 =	simm.s32 $0x1  }
0x5: {  	s13 =	simm.s32 $0x1C000;
	s14 =	simm.s32 $0x2;
	s6 =	sand.u32 $0x1, s1  }
0x6: {  	s15 =	simm.s32 $0x14000;
	s1 =	stileid.u32;
	s7 =	sshll.u32 s6, $0x4  }
0x7: {  	s16 =	simm.s32 $0x0;
	s6 =	ssub.s32 $0x2, s6;
	s7 =	sor.u32 s1, s7  }
0x8: {  	[smem:$0x7FF] =	sst s2;
	s11 =	sshrl.u32 s6, $0x1;
	s9 =	smul.u32 $0xA0, s7  }
0x9: {  	s8 =	sshll.u32 s7, $0xC;
	s10 =	sshll.u32 s7, $0xA;
	s7 =	smul.u32 $0x14000, s7  }
0xa: {  	_ =	strace $0x80000047;
	s11 =	ssub.s32 s6, s11;
	s8 =	sadd.s32 s8, s4  }
0xb: {  	s10 =	sadd.s32 s10, s4;
	s30 =	sadd.s32 $0x1310, s9;
	s7 =	sshrl.u32 s7, $0x3  }
0xc: {  	s6 =	sadd.s32 $0x1E00, s8;
	s8 =	smax.u32 s11, $0x1;
	s9 =	simm.s32 $0x1E000  }
0xd: {  	s11 =	simm.s32 $0xA000;
	s31 =	sshrl.u32 s30, $0x3;
	s4 =	sshll.u32 s30, $0x6  }
0xe: {  	s3 =	sadd.s32 s3, s31;
	s4 =	sadd.s32 s5, s4;
	s5 =	sadd.s32 s5, s7  }
0xf: {  	v0 =	vimm.f32 $0.0e+00;
	s7 =	sadd.s32 $0x21E00, s10;
	s10 =	simm.s32 $0x3;
	s5 =	sadd.s32 $0x4D800, s5  }
.LBB2_1:
0x10: {  	[tilespmem:s9], [sflag:$0x3] =	stream.linear.gather [hbm4b:s3+s2], $0xA0, $0x38;
	[tilespmem:$0x1E100] =	vst v63  }
0x11: {  	s17 =	sand.u32 $0x7000, s2;
	s18 =	sand.u32 $0x380, s2;
	_ =	swait.ge [sflag:s10], $0xA0  }
0x12: {  	s18 =	sor.u32 s18, s17;
	[sflag:s10] =	ssyncset.done $0x0  }
0x13: {  	s17 =	sadd.s32 $0x14000, s18;
	[sflag:s10] =	ssyncadd.s32 $0xFFFFFF60  }
0x14: {  	[tilespmem:s17+$0x40] =	vst v0  }
0x15: {  	[tilespmem:s17+$0x50] =	vst v0  }
0x16: {  	[tilespmem:s17+$0x60] =	vst v0  }
0x17: {  	[tilespmem:s17+$0x70] =	vst v0  }
0x18: {  	[tilespmem:s17+$0x400] =	vst v0  }
0x19: {  	[tilespmem:s17+$0x410] =	vst v0  }
0x1a: {  	[tilespmem:s17+$0x420] =	vst v0  }
0x1b: {  	[tilespmem:s17+$0x430] =	vst v0  }
0x1c: {  	[tilespmem:s17+$0x440] =	vst v0  }
0x1d: {  	[tilespmem:s17+$0x450] =	vst v0  }
0x1e: {  	[tilespmem:s17+$0x460] =	vst v0  }
0x1f: {  	[tilespmem:s17+$0x470] =	vst v0  }
0x20: {  	[tilespmem:s17+$0x800] =	vst v0  }
0x21: {  	[tilespmem:s17+$0x810] =	vst v0  }
0x22: {  	[tilespmem:s17+$0x820] =	vst v0  }
0x23: {  	[tilespmem:s17+$0x830] =	vst v0  }
0x24: {  	[tilespmem:s17+$0x840] =	vst v0  }
0x25: {  	[tilespmem:s17+$0x850] =	vst v0  }
0x26: {  	[tilespmem:s17+$0x860] =	vst v0  }
0x27: {  	[tilespmem:s17+$0x870] =	vst v0  }
0x28: {  	[tilespmem:s17+$0xC00] =	vst v0  }
0x29: {  	[tilespmem:s17+$0xC10] =	vst v0  }
0x2a: {  	[tilespmem:s17+$0xC20] =	vst v0  }
0x2b: {  	[tilespmem:s17+$0xC30] =	vst v0  }
0x2c: {  	[tilespmem:s17+$0xC40] =	vst v0  }
0x2d: {  	[tilespmem:s17+$0xC50] =	vst v0  }
0x2e: {  	[tilespmem:s17+$0xC60] =	vst v0  }
0x2f: {  	[tilespmem:s17+$0xC70] =	vst v0  }
0x30: {  	[tilespmem:s18+$0x14000] =	vst v0  }
0x31: {  	s19 =	simm.s32 $0x80;
	s20 =	simm.s32 $0x200;
	s18 =	simm.s32 $0x0;
	[tilespmem:s17+$0x10] =	vst v0  }
.LBB2_2:
0x32: {  	s21 =	sand.u32 $0x7000, s20;
	s22 =	sand.u32 $0x380, s19;
	p0 =	sne.s32 s20, $0x7E00;
	[tilespmem:s17+$0x20] =	vst v0  }
0x33: {  	s21 =	sor.u32 s22, s21;
	[tilespmem:s17+$0x30] =	vst v0;
	s22 =	sshra.s32 s18, $0x2;
	s18 =	smov.u32 s20  }
0x34: {  	s17 =	sadd.s32 $0x14000, s21;
	[tilespmem:s22+$0x1C000] =	vst v0  }
0x35: {  	[tilespmem:s17+$0x40] =	vst v0  }
0x36: {  	[tilespmem:s17+$0x50] =	vst v0  }
0x37: {  	[tilespmem:s17+$0x60] =	vst v0  }
0x38: {  	[tilespmem:s17+$0x70] =	vst v0  }
0x39: {  	[tilespmem:s17+$0x400] =	vst v0  }
0x3a: {  	[tilespmem:s17+$0x410] =	vst v0  }
0x3b: {  	[tilespmem:s17+$0x420] =	vst v0  }
0x3c: {  	[tilespmem:s17+$0x430] =	vst v0  }
0x3d: {  	[tilespmem:s17+$0x440] =	vst v0  }
0x3e: {  	[tilespmem:s17+$0x450] =	vst v0  }
0x3f: {  	[tilespmem:s17+$0x460] =	vst v0  }
0x40: {  	[tilespmem:s17+$0x470] =	vst v0  }
0x41: {  	[tilespmem:s17+$0x800] =	vst v0  }
0x42: {  	[tilespmem:s17+$0x810] =	vst v0  }
0x43: {  	[tilespmem:s17+$0x820] =	vst v0  }
0x44: {  	[tilespmem:s17+$0x830] =	vst v0  }
0x45: {  	[tilespmem:s17+$0x840] =	vst v0  }
0x46: {  	[tilespmem:s17+$0x850] =	vst v0  }
0x47: {  	[tilespmem:s17+$0x860] =	vst v0  }
0x48: {  	[tilespmem:s17+$0x870] =	vst v0  }
0x49: {  	[tilespmem:s17+$0xC00] =	vst v0  }
0x4a: {  	[tilespmem:s17+$0xC10] =	vst v0  }
0x4b: {  	[tilespmem:s17+$0xC20] =	vst v0  }
0x4c: {  	[tilespmem:s17+$0xC30] =	vst v0  }
0x4d: {  	[tilespmem:s17+$0xC40] =	vst v0  }
.Ltmp0:
0x4e: {  	[tilespmem:s17+$0xC50] =	vst v0;
	(pc) =	sbr.rel @p0 .LBB2_2-.Ltmp0, $4  }
0x4f: {  	[tilespmem:s17+$0xC60] =	vst v0  }
0x50: {  	[tilespmem:s17+$0xC70] =	vst v0  }
0x51: {  	[tilespmem:s21+$0x14000] =	vst v0  }
0x52: {  	s19 =	sadd.s32 $0x80, s19;
	s20 =	sadd.s32 $0x200, s20;
	[tilespmem:s17+$0x10] =	vst v0  }
0x53: {  	[tilespmem:s17+$0x20] =	vst v0  }
0x54: {  	[tilespmem:s17+$0x30] =	vst v0;
	s31 =	sshra.s32 s18, $0x2  }
0x55: {  	[tilespmem:s31+$0x1C000] =	vst v0  }
0x56: {  	[tilespmem:s2], [sflag:$0x1] =	stream.linear.gather [hbm4b:s4+s2], $0xA000, $0x38;
	[tilespmem:$0x1E100] =	vst v63  }
0x57: {  	_ = 	snop  }
0x58: {  	[tilespmem:s11], [sflag:$0x2] =	stream.linear.gather [hbm4b:s5+s2], $0xA000, $0x38;
	[tilespmem:$0x1E100] =	vst v63  }
0x59: {  	_ =	swait.ge [sflag:s12], $0xA000  }
0x5a: {  	[sflag:s12] =	ssyncset.done $0x0  }
0x5b: {  	[sflag:s12] =	ssyncadd.s32 $0xFFFF6000  }
0x5c: {  	v1 =	vld [tilespmem:$0x1E000];
	_ =	sdelay $0x4  }
0x5d: {  	v1 =	vcvt.s32.f32 v1;
	_ =	sdelay $0x1  }
0x5e: {  	[tilespmem:s13+$0x0] =	vst.add.f32.msk $0xffff, v1  }
0x5f: {  	v1 =	vld [tilespmem:$0x1E010];
	_ =	sdelay $0x4  }
0x60: {  	v1 =	vcvt.s32.f32 v1;
	_ =	sdelay $0x1  }
0x61: {  	[tilespmem:s13+$0x0] =	vst.add.f32.msk $0xffff, v1  }
0x62: {  	v1 =	vld [tilespmem:$0x1E020];
	_ =	sdelay $0x4  }
0x63: {  	v1 =	vcvt.s32.f32 v1;
	_ =	sdelay $0x1  }
0x64: {  	[tilespmem:s13+$0x0] =	vst.add.f32.msk $0xffff, v1  }
0x65: {  	v1 =	vld [tilespmem:$0x1E030];
	_ =	sdelay $0x4  }
0x66: {  	v1 =	vcvt.s32.f32 v1;
	_ =	sdelay $0x1  }
0x67: {  	[tilespmem:s13+$0x0] =	vst.add.f32.msk $0xffff, v1  }
0x68: {  	v1 =	vld [tilespmem:$0x1E040];
	_ =	sdelay $0x4  }
0x69: {  	v1 =	vcvt.s32.f32 v1;
	_ =	sdelay $0x1  }
0x6a: {  	[tilespmem:s13+$0x0] =	vst.add.f32.msk $0xffff, v1  }
0x6b: {  	_ =	swait.ge [sflag:s14], $0xA000  }
0x6c: {  	[sflag:s14] =	ssyncset.done $0x0  }
0x6d: {  	[sflag:s14] =	ssyncadd.s32 $0xFFFF6000  }
0x6e: {  	v1 =	vld [tilespmem:$0x1E050];
	_ =	sdelay $0x4  }
0x6f: {  	v1 =	vcvt.s32.f32 v1;
	_ =	sdelay $0x1  }
0x70: {  	[tilespmem:s13+$0x0] =	vst.add.f32.msk $0xffff, v1  }
0x71: {  	v1 =	vld [tilespmem:$0x1E060];
	_ =	sdelay $0x4  }
0x72: {  	v1 =	vcvt.s32.f32 v1;
	_ =	sdelay $0x1  }
0x73: {  	[tilespmem:s13+$0x0] =	vst.add.f32.msk $0xffff, v1  }
0x74: {  	v1 =	vld [tilespmem:$0x1E070];
	_ =	sdelay $0x4  }
0x75: {  	v1 =	vcvt.s32.f32 v1;
	_ =	sdelay $0x1  }
0x76: {  	[tilespmem:s13+$0x0] =	vst.add.f32.msk $0xffff, v1  }
0x77: {  	v1 =	vld [tilespmem:$0x1E080];
	_ =	sdelay $0x4  }
0x78: {  	v1 =	vcvt.s32.f32 v1;
	_ =	sdelay $0x1  }
0x79: {  	[tilespmem:s13+$0x0] =	vst.add.f32.msk $0xffff, v1  }
0x7a: {  	v1 =	vld [tilespmem:$0x1E090];
	_ =	sdelay $0x4  }
0x7b: {  	v1 =	vcvt.s32.f32 v1;
	_ =	sdelay $0x1  }
0x7c: {  	[tilespmem:s13+$0x0] =	vst.add.f32.msk $0xffff, v1  }
0x7d: {  	[hbm4b:s6+s2] =	stream.linear.scatter [tilespmem:s15], [sflag:$0x3], $0x8000, $0x38;
	[tilespmem:$0x1E100] =	vst v63  }
0x7e: {  	s16 =	sadd.s32 $0x1, s16;
	_ =	swait.ge [sflag:s10], $0x8000  }
0x7f: {  	p0 =	sne.s32 s16, s8;
	[sflag:s10] =	ssyncset.done $0x0  }
.Ltmp1:
0x80: {  	[sflag:s10] =	ssyncadd.s32 $0xFFFF8000;
	(pc) =	sbr.rel @p0 .LBB2_1-.Ltmp1, $4  }
0x81: {  	[hbm4b:s7+s2] =	stream.linear.scatter [tilespmem:s13], [sflag:$0x3], $0x2000, $0x38;
	[tilespmem:$0x1E100] =	vst v63  }
0x82: {  	_ =	swait.ge [sflag:s10], $0x2000  }
0x83: {  	[sflag:s10] =	ssyncset.done $0x0  }
0x84: {  	[sflag:s10] =	ssyncadd.s32 $0xFFFFE000  }
0x85: {  	_ =	sfence.sel $0x180000  }
0x86: {  	[bflag:$0x0] =	sbarrier.arrive $0xFFFF  }
0x87: {  	p0 =	sne.s32 s1, $0x0;
	_ =	strace $0x90000047  }
0x88: {  	s0 =	sadd.s32 @!p0 $0x100000, s0;
	[bflag:$0x2] =	sbarrier.arrive $0xFFFF  }
0x89: {  	[sflag:s0] =	ssyncadd.tile.s32 @!p0 $0x1;
	_ =	shalt  }
.Lfunc_end2:
_tile_overlayer_lowered:
.L_overlay_start_2:
0x8a: {  	(tag) =	ssettag $0x2  }
0x8b: {  	s0 =	rddreg [dreg:$0x0];
	s2 =	stileid.u32  }
0x8c: {  	s1 =	rddreg [dreg:$0x1];
	p0 =	sne.s32 s2, $0x0  }
0x8d: {  	s3 =	rddreg [dreg:$0x2];
	[bflag:$0x3] =	sbarrier.arrive $0xFFFF;
	s2 =	simm.s32 @!p0 $0x1C03  }
0x8e: {  	[timem:s3], [sflag:s2] =	dma.local @!p0 [hbm:s0], s1  }
0x8f: {  	s0 =	simm.s32 @!p0 $0x3  }
0x90: {  	_ =	swait.ge @!p0 [sflag:s0], s1  }
0x91: {  	s1 =	ssub.s32 @!p0 $0x0, s1;
	[sflag:s0] =	ssyncset.done @!p0 $0x0  }
0x92: {  	[sflag:s0] =	ssyncadd.s32 @!p0 s1  }
0x93: {  	[bflag:$0x3] =	sbarrier.arrive $0xFFFF  }
0x94: {  	_ =	shalt  }

</sc_bundles>
